<compile_context>
chip_gen: v7x
topology: tpu7x:2x2x1
jax: 0.10.2.dev20260603
libtpu: 0.0.44.dev20260713+nightly
codegen_flags: <defaults>
</compile_context>

<pallas_src>
import functools

import jax
import jax.numpy as jnp
from jax import lax
from jax.experimental import pallas as pl
from jax.experimental.pallas import tpu as pltpu
from jax.experimental.pallas import tpu_sc as plsc

N = 16384
S = 4096
TN = 1024

_INFO = plsc.get_sparse_core_info()
_NC = _INFO.num_cores
_NS = _INFO.num_subcores
_L = _INFO.num_lanes
_NW = _NC * _NS
QPW = N // _NW


def _tc_body(q_ref, k_ref, qn_ref, kn_ref, i1_ref, i2_ref, i3_ref):
    q = jnp.transpose(q_ref[...], (1, 0))
    qk = jnp.dot(q, k_ref[...], preferred_element_type=jnp.float32)
    sel = (-2.0 * qk + qn_ref[...]) + kn_ref[...]

    iota = lax.broadcasted_iota(jnp.int32, (TN, S), 1)
    inf = jnp.float32(jnp.inf)

    outs = [i1_ref, i2_ref, i3_ref]
    for r in range(3):
        idx = jnp.argmin(sel, axis=1)[:, None]
        outs[r][...] = idx
        if r < 2:
            sel = jnp.where(iota == idx, inf, sel)


def _rsqrt(d2):
    d2 = jnp.maximum(d2, jnp.float32(1e-20))
    i = lax.bitcast_convert_type(d2, jnp.int32)
    i = jnp.int32(0x5F3759DF) - lax.shift_right_logical(i, 1)
    y = lax.bitcast_convert_type(i, jnp.float32)
    for _ in range(3):
        y = y * (jnp.float32(1.5) - jnp.float32(0.5) * d2 * y * y)
    return y


def _sc_kernel(qx_h, qy_h, qz_h, kx_h, ky_h, kz_h, fx_h, fy_h, fz_h,
               i1_h, i2_h, i3_h, ox_h, oy_h, oz_h,
               qx_v, qy_v, qz_v, kx_v, ky_v, kz_v, fx_v, fy_v, fz_v,
               i1_v, i2_v, i3_v, ox_v, oy_v, oz_v):
    wid = lax.axis_index("s") * _NC + lax.axis_index("c")
    base = wid * QPW
    sl_in = pl.ds(base, QPW)
    pltpu.sync_copy(qx_h.at[sl_in], qx_v)
    pltpu.sync_copy(qy_h.at[sl_in], qy_v)
    pltpu.sync_copy(qz_h.at[sl_in], qz_v)
    pltpu.sync_copy(i1_h.at[sl_in], i1_v)
    pltpu.sync_copy(i2_h.at[sl_in], i2_v)
    pltpu.sync_copy(i3_h.at[sl_in], i3_v)
    pltpu.sync_copy(kx_h, kx_v)
    pltpu.sync_copy(ky_h, ky_v)
    pltpu.sync_copy(kz_h, kz_v)
    pltpu.sync_copy(fx_h, fx_v)
    pltpu.sync_copy(fy_h, fy_v)
    pltpu.sync_copy(fz_h, fz_v)

    def body(j, carry):
        sl = pl.ds(j * _L, _L)
        qx = qx_v[sl]
        qy = qy_v[sl]
        qz = qz_v[sl]
        ws = []
        fls = []
        for iv in (i1_v, i2_v, i3_v):
            idx = iv[sl]
            gx = plsc.load_gather(kx_v, [idx])
            gy = plsc.load_gather(ky_v, [idx])
            gz = plsc.load_gather(kz_v, [idx])
            dx = qx - gx
            dy = qy - gy
            dz = qz - gz
            d2 = (dx * dx + dy * dy) + dz * dz
            ws.append(_rsqrt(d2))
            fls.append((plsc.load_gather(fx_v, [idx]),
                        plsc.load_gather(fy_v, [idx]),
                        plsc.load_gather(fz_v, [idx])))
        inv = jnp.float32(1.0) / ((ws[0] + ws[1]) + ws[2])
        w1 = ws[0] * inv
        w2 = ws[1] * inv
        w3 = ws[2] * inv
        ox_v[sl] = (w1 * fls[0][0] + w2 * fls[1][0]) + w3 * fls[2][0]
        oy_v[sl] = (w1 * fls[0][1] + w2 * fls[1][1]) + w3 * fls[2][1]
        oz_v[sl] = (w1 * fls[0][2] + w2 * fls[1][2]) + w3 * fls[2][2]
        return carry

    lax.fori_loop(0, QPW // _L, body, 0)

    pltpu.sync_copy(ox_v, ox_h.at[sl_in])
    pltpu.sync_copy(oy_v, oy_h.at[sl_in])
    pltpu.sync_copy(oz_v, oz_h.at[sl_in])


@functools.partial(jax.jit)
def kernel(xyz, sparse_xyz, sparse_flow):
    qt = xyz[0]
    k = sparse_xyz[0]
    qn = jnp.sum(jnp.transpose(qt, (1, 0)) ** 2, axis=-1)[:, None]
    kn = jnp.sum(jnp.transpose(k, (1, 0)) ** 2, axis=-1)[None, :]

    i1, i2, i3 = pl.pallas_call(
        _tc_body,
        grid=(N // TN,),
        in_specs=[
            pl.BlockSpec((3, TN), lambda i: (0, i)),
            pl.BlockSpec((3, S), lambda i: (0, 0)),
            pl.BlockSpec((TN, 1), lambda i: (i, 0)),
            pl.BlockSpec((1, S), lambda i: (0, 0)),
        ],
        out_specs=[
            pl.BlockSpec((TN, 1), lambda i: (i, 0)),
            pl.BlockSpec((TN, 1), lambda i: (i, 0)),
            pl.BlockSpec((TN, 1), lambda i: (i, 0)),
        ],
        out_shape=[jax.ShapeDtypeStruct((N, 1), jnp.int32)] * 3,
    )(qt, k, qn, kn)

    sc = functools.partial(
        pl.kernel,
        mesh=plsc.VectorSubcoreMesh(core_axis_name="c", subcore_axis_name="s"),
        compiler_params=pltpu.CompilerParams(needs_layout_passes=False),
        out_type=[jax.ShapeDtypeStruct((N,), jnp.float32)] * 3,
        scratch_types=(
            [pltpu.VMEM((QPW,), jnp.float32)] * 3
            + [pltpu.VMEM((S,), jnp.float32)] * 6
            + [pltpu.VMEM((QPW,), jnp.int32)] * 3
            + [pltpu.VMEM((QPW,), jnp.float32)] * 3
        ),
    )(_sc_kernel)

    ox, oy, oz = sc(
        xyz[0][0], xyz[0][1], xyz[0][2],
        sparse_xyz[0][0], sparse_xyz[0][1], sparse_xyz[0][2],
        sparse_flow[0][0], sparse_flow[0][1], sparse_flow[0][2],
        jnp.reshape(i1, (N,)), jnp.reshape(i2, (N,)), jnp.reshape(i3, (N,)),
    )
    return jnp.stack([ox, oy, oz])[None]

# --- scband reference (transcript-rebuilt; emitter-appended) ---
"""Pipeline reference for scband-flow-refine-net-unet-17755394801914 (READ-ONLY COPY).

The authoritative reference and input builder live on the scoring server;
editing this copy changes nothing except your own understanding.
"""

import jax, jax.numpy as jnp
import numpy as np


def _square_distance(src, dst):
    # src: [B, N, C], dst: [B, M, C] -> [B, N, M]
    d = -2.0 * jnp.einsum('bnc,bmc->bnm', src, dst)
    d = d + jnp.sum(src ** 2, axis=-1)[:, :, None]
    d = d + jnp.sum(dst ** 2, axis=-1)[:, None, :]
    return d


def _knn_point(nsample, xyz, new_xyz):
    # nearest `nsample` points in xyz for each query in new_xyz
    sqrdists = _square_distance(new_xyz, xyz)
    _, idx = jax.lax.top_k(-sqrdists, nsample)
    return idx


def _index_points_group(points, idx):
    # points: [B, M, C], idx: [B, N, K] -> [B, N, K, C]
    return jax.vmap(lambda p, i: p[i])(points, idx)


def setup_inputs(seed: int = 0) -> dict:
    key = jax.random.key(seed)
    k1, k2, k3 = jax.random.split(key, 3)
    xyz = jax.random.normal(k1, (1, 3, 16384), dtype=jnp.float32)
    sparse_xyz = jax.random.normal(k2, (1, 3, 4096), dtype=jnp.float32)
    sparse_flow = jax.random.normal(k3, (1, 3, 4096), dtype=jnp.float32)
    return {"xyz": xyz, "sparse_xyz": sparse_xyz, "sparse_flow": sparse_flow}


def reference(xyz, sparse_xyz, sparse_flow):
    # Faithful translation of UpsampleFlow (the kNN retrieval core of
    # FlowRefineNet_Unet): 3-NN inverse-distance-weighted flow interpolation.
    # xyz: [B, 3, N] dense queries; sparse_xyz/sparse_flow: [B, 3, S] keys/values.
    B, C, N = xyz.shape
    xyz_t = jnp.transpose(xyz, (0, 2, 1))            # [B, N, 3]
    sx_t = jnp.transpose(sparse_xyz, (0, 2, 1))      # [B, S, 3]
    sf_t = jnp.transpose(sparse_flow, (0, 2, 1))     # [B, S, 3]
    knn_idx = _knn_point(3, sx_t, xyz_t)             # [B, N, 3]
    grouped_xyz_norm = _index_points_group(sx_t, knn_idx) - xyz_t[:, :, None, :]
    dist = jnp.clip(jnp.linalg.norm(grouped_xyz_norm, axis=3), 1e-10, None)
    norm = jnp.sum(1.0 / dist, axis=2, keepdims=True)
    weight = 1.0 / dist / norm                       # [B, N, 3]
    grouped_flow = _index_points_group(sf_t, knn_idx)  # [B, N, 3, 3]
    dense_flow = jnp.sum(weight[..., None] * grouped_flow, axis=2)  # [B, N, 3]
    return jnp.transpose(dense_flow, (0, 2, 1))      # [B, 3, N]

if __name__ == "__main__":
    import jax
    _d = setup_inputs()
    print(jax.jit(kernel)(*tuple(_d.values())))

</pallas_src>

<mosaic_0001>
#map = affine_map<(d0, d1) -> (0)>
module attributes {stable_mosaic.version = 14 : i64} {
  func.func @_sc_kernel(%arg0: i32, %arg1: i32, %arg2: memref<16384xf32, #tpu.memory_space<hbm>>, %arg3: memref<16384xf32, #tpu.memory_space<hbm>>, %arg4: memref<16384xf32, #tpu.memory_space<hbm>>, %arg5: memref<4096xf32, #tpu.memory_space<hbm>>, %arg6: memref<4096xf32, #tpu.memory_space<hbm>>, %arg7: memref<4096xf32, #tpu.memory_space<hbm>>, %arg8: memref<4096xf32, #tpu.memory_space<hbm>>, %arg9: memref<4096xf32, #tpu.memory_space<hbm>>, %arg10: memref<4096xf32, #tpu.memory_space<hbm>>, %arg11: memref<16384xi32, #tpu.memory_space<hbm>>, %arg12: memref<16384xi32, #tpu.memory_space<hbm>>, %arg13: memref<16384xi32, #tpu.memory_space<hbm>>, %arg14: memref<16384xf32, #tpu.memory_space<hbm>>, %arg15: memref<16384xf32, #tpu.memory_space<hbm>>, %arg16: memref<16384xf32, #tpu.memory_space<hbm>>, %arg17: memref<512xf32, #tpu.memory_space<vmem>>, %arg18: memref<512xf32, #tpu.memory_space<vmem>>, %arg19: memref<512xf32, #tpu.memory_space<vmem>>, %arg20: memref<4096xf32, #tpu.memory_space<vmem>>, %arg21: memref<4096xf32, #tpu.memory_space<vmem>>, %arg22: memref<4096xf32, #tpu.memory_space<vmem>>, %arg23: memref<4096xf32, #tpu.memory_space<vmem>>, %arg24: memref<4096xf32, #tpu.memory_space<vmem>>, %arg25: memref<4096xf32, #tpu.memory_space<vmem>>, %arg26: memref<512xi32, #tpu.memory_space<vmem>>, %arg27: memref<512xi32, #tpu.memory_space<vmem>>, %arg28: memref<512xi32, #tpu.memory_space<vmem>>, %arg29: memref<512xf32, #tpu.memory_space<vmem>>, %arg30: memref<512xf32, #tpu.memory_space<vmem>>, %arg31: memref<512xf32, #tpu.memory_space<vmem>>) attributes {dimension_semantics = [#tpu.dimension_semantics<core_parallel>, #tpu.dimension_semantics<subcore_parallel>], iteration_bounds = array<i64: 2, 16>, scalar_prefetch = 0 : i64, scratch_operands = 15 : i64, tpu.core_type = #tpu.core_type<sc_vector_subcore>, window_params = [{transform_indices = #map}, {transform_indices = #map}, {transform_indices = #map}, {transform_indices = #map}, {transform_indices = #map}, {transform_indices = #map}, {transform_indices = #map}, {transform_indices = #map}, {transform_indices = #map}, {transform_indices = #map}, {transform_indices = #map}, {transform_indices = #map}, {transform_indices = #map}, {transform_indices = #map}, {transform_indices = #map}]} {
    %mul3A = arith.constant 2 : i32
    %mul3A_0 = arith.muli %arg1, %mul3A : i32
    %add3A = arith.addi %mul3A_0, %arg0 : i32
    %mul3A_1 = arith.constant 512 : i32
    %mul3A_2 = arith.muli %add3A, %mul3A_1 : i32
    "tpu.region"() ({
      %run_scoped3A = tpu.sem_alloc : memref<!tpu.dma_semaphore, #tpu.memory_space<semaphore_mem>>
      %dma_start3A = tpu.memref_slice %arg2[%mul3A_2] : memref<16384xf32, #tpu.memory_space<hbm>> -> memref<512xf32, #tpu.memory_space<hbm>>
      %dma_start3A_8 = tpu.memref_slice %arg2[%mul3A_2] : memref<16384xf32, #tpu.memory_space<hbm>> -> memref<512xf32, #tpu.memory_space<hbm>>
      tpu.enqueue_dma source(%dma_start3A_8 : memref<512xf32, #tpu.memory_space<hbm>>) target(%arg17 : memref<512xf32, #tpu.memory_space<vmem>>) target_semaphore(%run_scoped3A : memref<!tpu.dma_semaphore, #tpu.memory_space<semaphore_mem>>)
      %dma_wait3A = tpu.memref_slice %arg2[%mul3A_2] : memref<16384xf32, #tpu.memory_space<hbm>> -> memref<512xf32, #tpu.memory_space<hbm>>
      %dma_wait3A_9 = tpu.memref_slice %arg2[%mul3A_2] : memref<16384xf32, #tpu.memory_space<hbm>> -> memref<512xf32, #tpu.memory_space<hbm>>
      tpu.wait_dma2 semaphore(%run_scoped3A : memref<!tpu.dma_semaphore, #tpu.memory_space<semaphore_mem>>) src(%dma_wait3A_9 : memref<512xf32, #tpu.memory_space<hbm>>) dst(%arg17 : memref<512xf32, #tpu.memory_space<vmem>>)
      tpu.yield
    }) : () -> ()
    "tpu.region"() ({
      %run_scoped3A = tpu.sem_alloc : memref<!tpu.dma_semaphore, #tpu.memory_space<semaphore_mem>>
      %dma_start3A = tpu.memref_slice %arg3[%mul3A_2] : memref<16384xf32, #tpu.memory_space<hbm>> -> memref<512xf32, #tpu.memory_space<hbm>>
      %dma_start3A_8 = tpu.memref_slice %arg3[%mul3A_2] : memref<16384xf32, #tpu.memory_space<hbm>> -> memref<512xf32, #tpu.memory_space<hbm>>
      tpu.enqueue_dma source(%dma_start3A_8 : memref<512xf32, #tpu.memory_space<hbm>>) target(%arg18 : memref<512xf32, #tpu.memory_space<vmem>>) target_semaphore(%run_scoped3A : memref<!tpu.dma_semaphore, #tpu.memory_space<semaphore_mem>>)
      %dma_wait3A = tpu.memref_slice %arg3[%mul3A_2] : memref<16384xf32, #tpu.memory_space<hbm>> -> memref<512xf32, #tpu.memory_space<hbm>>
      %dma_wait3A_9 = tpu.memref_slice %arg3[%mul3A_2] : memref<16384xf32, #tpu.memory_space<hbm>> -> memref<512xf32, #tpu.memory_space<hbm>>
      tpu.wait_dma2 semaphore(%run_scoped3A : memref<!tpu.dma_semaphore, #tpu.memory_space<semaphore_mem>>) src(%dma_wait3A_9 : memref<512xf32, #tpu.memory_space<hbm>>) dst(%arg18 : memref<512xf32, #tpu.memory_space<vmem>>)
      tpu.yield
    }) : () -> ()
    "tpu.region"() ({
      %run_scoped3A = tpu.sem_alloc : memref<!tpu.dma_semaphore, #tpu.memory_space<semaphore_mem>>
      %dma_start3A = tpu.memref_slice %arg4[%mul3A_2] : memref<16384xf32, #tpu.memory_space<hbm>> -> memref<512xf32, #tpu.memory_space<hbm>>
      %dma_start3A_8 = tpu.memref_slice %arg4[%mul3A_2] : memref<16384xf32, #tpu.memory_space<hbm>> -> memref<512xf32, #tpu.memory_space<hbm>>
      tpu.enqueue_dma source(%dma_start3A_8 : memref<512xf32, #tpu.memory_space<hbm>>) target(%arg19 : memref<512xf32, #tpu.memory_space<vmem>>) target_semaphore(%run_scoped3A : memref<!tpu.dma_semaphore, #tpu.memory_space<semaphore_mem>>)
      %dma_wait3A = tpu.memref_slice %arg4[%mul3A_2] : memref<16384xf32, #tpu.memory_space<hbm>> -> memref<512xf32, #tpu.memory_space<hbm>>
      %dma_wait3A_9 = tpu.memref_slice %arg4[%mul3A_2] : memref<16384xf32, #tpu.memory_space<hbm>> -> memref<512xf32, #tpu.memory_space<hbm>>
      tpu.wait_dma2 semaphore(%run_scoped3A : memref<!tpu.dma_semaphore, #tpu.memory_space<semaphore_mem>>) src(%dma_wait3A_9 : memref<512xf32, #tpu.memory_space<hbm>>) dst(%arg19 : memref<512xf32, #tpu.memory_space<vmem>>)
      tpu.yield
    }) : () -> ()
    "tpu.region"() ({
      %run_scoped3A = tpu.sem_alloc : memref<!tpu.dma_semaphore, #tpu.memory_space<semaphore_mem>>
      %dma_start3A = tpu.memref_slice %arg11[%mul3A_2] : memref<16384xi32, #tpu.memory_space<hbm>> -> memref<512xi32, #tpu.memory_space<hbm>>
      %dma_start3A_8 = tpu.memref_slice %arg11[%mul3A_2] : memref<16384xi32, #tpu.memory_space<hbm>> -> memref<512xi32, #tpu.memory_space<hbm>>
      tpu.enqueue_dma source(%dma_start3A_8 : memref<512xi32, #tpu.memory_space<hbm>>) target(%arg26 : memref<512xi32, #tpu.memory_space<vmem>>) target_semaphore(%run_scoped3A : memref<!tpu.dma_semaphore, #tpu.memory_space<semaphore_mem>>)
      %dma_wait3A = tpu.memref_slice %arg11[%mul3A_2] : memref<16384xi32, #tpu.memory_space<hbm>> -> memref<512xi32, #tpu.memory_space<hbm>>
      %dma_wait3A_9 = tpu.memref_slice %arg11[%mul3A_2] : memref<16384xi32, #tpu.memory_space<hbm>> -> memref<512xi32, #tpu.memory_space<hbm>>
      tpu.wait_dma2 semaphore(%run_scoped3A : memref<!tpu.dma_semaphore, #tpu.memory_space<semaphore_mem>>) src(%dma_wait3A_9 : memref<512xi32, #tpu.memory_space<hbm>>) dst(%arg26 : memref<512xi32, #tpu.memory_space<vmem>>)
      tpu.yield
    }) : () -> ()
    "tpu.region"() ({
      %run_scoped3A = tpu.sem_alloc : memref<!tpu.dma_semaphore, #tpu.memory_space<semaphore_mem>>
      %dma_start3A = tpu.memref_slice %arg12[%mul3A_2] : memref<16384xi32, #tpu.memory_space<hbm>> -> memref<512xi32, #tpu.memory_space<hbm>>
      %dma_start3A_8 = tpu.memref_slice %arg12[%mul3A_2] : memref<16384xi32, #tpu.memory_space<hbm>> -> memref<512xi32, #tpu.memory_space<hbm>>
      tpu.enqueue_dma source(%dma_start3A_8 : memref<512xi32, #tpu.memory_space<hbm>>) target(%arg27 : memref<512xi32, #tpu.memory_space<vmem>>) target_semaphore(%run_scoped3A : memref<!tpu.dma_semaphore, #tpu.memory_space<semaphore_mem>>)
      %dma_wait3A = tpu.memref_slice %arg12[%mul3A_2] : memref<16384xi32, #tpu.memory_space<hbm>> -> memref<512xi32, #tpu.memory_space<hbm>>
      %dma_wait3A_9 = tpu.memref_slice %arg12[%mul3A_2] : memref<16384xi32, #tpu.memory_space<hbm>> -> memref<512xi32, #tpu.memory_space<hbm>>
      tpu.wait_dma2 semaphore(%run_scoped3A : memref<!tpu.dma_semaphore, #tpu.memory_space<semaphore_mem>>) src(%dma_wait3A_9 : memref<512xi32, #tpu.memory_space<hbm>>) dst(%arg27 : memref<512xi32, #tpu.memory_space<vmem>>)
      tpu.yield
    }) : () -> ()
    "tpu.region"() ({
      %run_scoped3A = tpu.sem_alloc : memref<!tpu.dma_semaphore, #tpu.memory_space<semaphore_mem>>
      %dma_start3A = tpu.memref_slice %arg13[%mul3A_2] : memref<16384xi32, #tpu.memory_space<hbm>> -> memref<512xi32, #tpu.memory_space<hbm>>
      %dma_start3A_8 = tpu.memref_slice %arg13[%mul3A_2] : memref<16384xi32, #tpu.memory_space<hbm>> -> memref<512xi32, #tpu.memory_space<hbm>>
      tpu.enqueue_dma source(%dma_start3A_8 : memref<512xi32, #tpu.memory_space<hbm>>) target(%arg28 : memref<512xi32, #tpu.memory_space<vmem>>) target_semaphore(%run_scoped3A : memref<!tpu.dma_semaphore, #tpu.memory_space<semaphore_mem>>)
      %dma_wait3A = tpu.memref_slice %arg13[%mul3A_2] : memref<16384xi32, #tpu.memory_space<hbm>> -> memref<512xi32, #tpu.memory_space<hbm>>
      %dma_wait3A_9 = tpu.memref_slice %arg13[%mul3A_2] : memref<16384xi32, #tpu.memory_space<hbm>> -> memref<512xi32, #tpu.memory_space<hbm>>
      tpu.wait_dma2 semaphore(%run_scoped3A : memref<!tpu.dma_semaphore, #tpu.memory_space<semaphore_mem>>) src(%dma_wait3A_9 : memref<512xi32, #tpu.memory_space<hbm>>) dst(%arg28 : memref<512xi32, #tpu.memory_space<vmem>>)
      tpu.yield
    }) : () -> ()
    "tpu.region"() ({
      %run_scoped3A = tpu.sem_alloc : memref<!tpu.dma_semaphore, #tpu.memory_space<semaphore_mem>>
      tpu.enqueue_dma source(%arg5 : memref<4096xf32, #tpu.memory_space<hbm>>) target(%arg20 : memref<4096xf32, #tpu.memory_space<vmem>>) target_semaphore(%run_scoped3A : memref<!tpu.dma_semaphore, #tpu.memory_space<semaphore_mem>>)
      tpu.wait_dma2 semaphore(%run_scoped3A : memref<!tpu.dma_semaphore, #tpu.memory_space<semaphore_mem>>) src(%arg5 : memref<4096xf32, #tpu.memory_space<hbm>>) dst(%arg20 : memref<4096xf32, #tpu.memory_space<vmem>>)
      tpu.yield
    }) : () -> ()
    "tpu.region"() ({
      %run_scoped3A = tpu.sem_alloc : memref<!tpu.dma_semaphore, #tpu.memory_space<semaphore_mem>>
      tpu.enqueue_dma source(%arg6 : memref<4096xf32, #tpu.memory_space<hbm>>) target(%arg21 : memref<4096xf32, #tpu.memory_space<vmem>>) target_semaphore(%run_scoped3A : memref<!tpu.dma_semaphore, #tpu.memory_space<semaphore_mem>>)
      tpu.wait_dma2 semaphore(%run_scoped3A : memref<!tpu.dma_semaphore, #tpu.memory_space<semaphore_mem>>) src(%arg6 : memref<4096xf32, #tpu.memory_space<hbm>>) dst(%arg21 : memref<4096xf32, #tpu.memory_space<vmem>>)
      tpu.yield
    }) : () -> ()
    "tpu.region"() ({
      %run_scoped3A = tpu.sem_alloc : memref<!tpu.dma_semaphore, #tpu.memory_space<semaphore_mem>>
      tpu.enqueue_dma source(%arg7 : memref<4096xf32, #tpu.memory_space<hbm>>) target(%arg22 : memref<4096xf32, #tpu.memory_space<vmem>>) target_semaphore(%run_scoped3A : memref<!tpu.dma_semaphore, #tpu.memory_space<semaphore_mem>>)
      tpu.wait_dma2 semaphore(%run_scoped3A : memref<!tpu.dma_semaphore, #tpu.memory_space<semaphore_mem>>) src(%arg7 : memref<4096xf32, #tpu.memory_space<hbm>>) dst(%arg22 : memref<4096xf32, #tpu.memory_space<vmem>>)
      tpu.yield
    }) : () -> ()
    "tpu.region"() ({
      %run_scoped3A = tpu.sem_alloc : memref<!tpu.dma_semaphore, #tpu.memory_space<semaphore_mem>>
      tpu.enqueue_dma source(%arg8 : memref<4096xf32, #tpu.memory_space<hbm>>) target(%arg23 : memref<4096xf32, #tpu.memory_space<vmem>>) target_semaphore(%run_scoped3A : memref<!tpu.dma_semaphore, #tpu.memory_space<semaphore_mem>>)
      tpu.wait_dma2 semaphore(%run_scoped3A : memref<!tpu.dma_semaphore, #tpu.memory_space<semaphore_mem>>) src(%arg8 : memref<4096xf32, #tpu.memory_space<hbm>>) dst(%arg23 : memref<4096xf32, #tpu.memory_space<vmem>>)
      tpu.yield
    }) : () -> ()
    "tpu.region"() ({
      %run_scoped3A = tpu.sem_alloc : memref<!tpu.dma_semaphore, #tpu.memory_space<semaphore_mem>>
      tpu.enqueue_dma source(%arg9 : memref<4096xf32, #tpu.memory_space<hbm>>) target(%arg24 : memref<4096xf32, #tpu.memory_space<vmem>>) target_semaphore(%run_scoped3A : memref<!tpu.dma_semaphore, #tpu.memory_space<semaphore_mem>>)
      tpu.wait_dma2 semaphore(%run_scoped3A : memref<!tpu.dma_semaphore, #tpu.memory_space<semaphore_mem>>) src(%arg9 : memref<4096xf32, #tpu.memory_space<hbm>>) dst(%arg24 : memref<4096xf32, #tpu.memory_space<vmem>>)
      tpu.yield
    }) : () -> ()
    "tpu.region"() ({
      %run_scoped3A = tpu.sem_alloc : memref<!tpu.dma_semaphore, #tpu.memory_space<semaphore_mem>>
      tpu.enqueue_dma source(%arg10 : memref<4096xf32, #tpu.memory_space<hbm>>) target(%arg25 : memref<4096xf32, #tpu.memory_space<vmem>>) target_semaphore(%run_scoped3A : memref<!tpu.dma_semaphore, #tpu.memory_space<semaphore_mem>>)
      tpu.wait_dma2 semaphore(%run_scoped3A : memref<!tpu.dma_semaphore, #tpu.memory_space<semaphore_mem>>) src(%arg10 : memref<4096xf32, #tpu.memory_space<hbm>>) dst(%arg25 : memref<4096xf32, #tpu.memory_space<vmem>>)
      tpu.yield
    }) : () -> ()
    %scan3A = arith.constant 0 : i32
    %scan3A_3 = arith.constant 0 : i32
    %scan3A_4 = arith.constant 32 : i32
    %scan3A_5 = arith.addi %scan3A_3, %scan3A_4 : i32
    %scan3A_6 = arith.constant 1 : i32
    scf.for %scan3A_8 = %scan3A_3 to %scan3A_5 step %scan3A_6  : i32 {
      %mul3A_9 = arith.constant 16 : i32
      %mul3A_10 = arith.muli %scan3A_8, %mul3A_9 : i32
      %get3A = arith.index_cast %mul3A_10 : i32 to index
      %get3A_11 = tpu.vector_load %arg17[%get3A] {strides = array<i32>} : memref<512xf32, #tpu.memory_space<vmem>>, vector<16xf32>,
      %get3A_12 = arith.index_cast %mul3A_10 : i32 to index
      %get3A_13 = tpu.vector_load %arg18[%get3A_12] {strides = array<i32>} : memref<512xf32, #tpu.memory_space<vmem>>, vector<16xf32>,
      %get3A_14 = arith.index_cast %mul3A_10 : i32 to index
      %get3A_15 = tpu.vector_load %arg19[%get3A_14] {strides = array<i32>} : memref<512xf32, #tpu.memory_space<vmem>>, vector<16xf32>,
      %get3A_16 = arith.index_cast %mul3A_10 : i32 to index
      %get3A_17 = tpu.vector_load %arg26[%get3A_16] {strides = array<i32>} : memref<512xi32, #tpu.memory_space<vmem>>, vector<16xi32>,
      %gather3A = tpu.vector_load_idx %arg20[%get3A_17] : memref<4096xf32, #tpu.memory_space<vmem>>[vector<16xi32>], vector<16xf32>,
      %gather3A_18 = tpu.vector_load_idx %arg21[%get3A_17] : memref<4096xf32, #tpu.memory_space<vmem>>[vector<16xi32>], vector<16xf32>,
      %gather3A_19 = tpu.vector_load_idx %arg22[%get3A_17] : memref<4096xf32, #tpu.memory_space<vmem>>[vector<16xi32>], vector<16xf32>,
      %sub3A = arith.subf %get3A_11, %gather3A : vector<16xf32>
      %sub3A_20 = arith.subf %get3A_13, %gather3A_18 : vector<16xf32>
      %sub3A_21 = arith.subf %get3A_15, %gather3A_19 : vector<16xf32>
      %mul3A_22 = arith.mulf %sub3A, %sub3A : vector<16xf32>
      %mul3A_23 = arith.mulf %sub3A_20, %sub3A_20 : vector<16xf32>
      %add3A_24 = arith.addf %mul3A_22, %mul3A_23 : vector<16xf32>
      %mul3A_25 = arith.mulf %sub3A_21, %sub3A_21 : vector<16xf32>
      %add3A_26 = arith.addf %add3A_24, %mul3A_25 : vector<16xf32>
      %max3A = arith.constant 9.99999968E-21 : f32
      %max3A_27 = vector.broadcast %max3A : f32 to vector<16xf32>
      %max3A_28 = arith.maximumf %add3A_26, %max3A_27 : vector<16xf32>
      %bitcast_convert_type3A = tpu.bitcast %max3A_28 : vector<16xf32> -> vector<16xi32>
      %shift_right_logical3A = arith.constant 1 : i32
      %shift_right_logical3A_29 = vector.broadcast %shift_right_logical3A : i32 to vector<16xi32>
      %shift_right_logical3A_30 = arith.shrui %bitcast_convert_type3A, %shift_right_logical3A_29 : vector<16xi32>
      %sub3A_31 = arith.constant 1597463007 : i32
      %sub3A_32 = vector.broadcast %sub3A_31 : i32 to vector<16xi32>
      %sub3A_33 = arith.subi %sub3A_32, %shift_right_logical3A_30 : vector<16xi32>
      %bitcast_convert_type3A_34 = tpu.bitcast %sub3A_33 : vector<16xi32> -> vector<16xf32>
      %mul3A_35 = arith.constant 5.000000e-01 : f32
      %mul3A_36 = vector.broadcast %mul3A_35 : f32 to vector<16xf32>
      %mul3A_37 = arith.mulf %mul3A_36, %max3A_28 : vector<16xf32>
      %mul3A_38 = arith.mulf %mul3A_37, %bitcast_convert_type3A_34 : vector<16xf32>
      %mul3A_39 = arith.mulf %mul3A_38, %bitcast_convert_type3A_34 : vector<16xf32>
      %sub3A_40 = arith.constant 1.500000e+00 : f32
      %sub3A_41 = vector.broadcast %sub3A_40 : f32 to vector<16xf32>
      %sub3A_42 = arith.subf %sub3A_41, %mul3A_39 : vector<16xf32>
      %mul3A_43 = arith.mulf %bitcast_convert_type3A_34, %sub3A_42 : vector<16xf32>
      %mul3A_44 = arith.constant 5.000000e-01 : f32
      %mul3A_45 = vector.broadcast %mul3A_44 : f32 to vector<16xf32>
      %mul3A_46 = arith.mulf %mul3A_45, %max3A_28 : vector<16xf32>
      %mul3A_47 = arith.mulf %mul3A_46, %mul3A_43 : vector<16xf32>
      %mul3A_48 = arith.mulf %mul3A_47, %mul3A_43 : vector<16xf32>
      %sub3A_49 = arith.constant 1.500000e+00 : f32
      %sub3A_50 = vector.broadcast %sub3A_49 : f32 to vector<16xf32>
      %sub3A_51 = arith.subf %sub3A_50, %mul3A_48 : vector<16xf32>
      %mul3A_52 = arith.mulf %mul3A_43, %sub3A_51 : vector<16xf32>
      %mul3A_53 = arith.constant 5.000000e-01 : f32
      %mul3A_54 = vector.broadcast %mul3A_53 : f32 to vector<16xf32>
      %mul3A_55 = arith.mulf %mul3A_54, %max3A_28 : vector<16xf32>
      %mul3A_56 = arith.mulf %mul3A_55, %mul3A_52 : vector<16xf32>
      %mul3A_57 = arith.mulf %mul3A_56, %mul3A_52 : vector<16xf32>
      %sub3A_58 = arith.constant 1.500000e+00 : f32
      %sub3A_59 = vector.broadcast %sub3A_58 : f32 to vector<16xf32>
      %sub3A_60 = arith.subf %sub3A_59, %mul3A_57 : vector<16xf32>
      %mul3A_61 = arith.mulf %mul3A_52, %sub3A_60 : vector<16xf32>
      %gather3A_62 = tpu.vector_load_idx %arg23[%get3A_17] : memref<4096xf32, #tpu.memory_space<vmem>>[vector<16xi32>], vector<16xf32>,
      %gather3A_63 = tpu.vector_load_idx %arg24[%get3A_17] : memref<4096xf32, #tpu.memory_space<vmem>>[vector<16xi32>], vector<16xf32>,
      %gather3A_64 = tpu.vector_load_idx %arg25[%get3A_17] : memref<4096xf32, #tpu.memory_space<vmem>>[vector<16xi32>], vector<16xf32>,
      %get3A_65 = arith.index_cast %mul3A_10 : i32 to index
      %get3A_66 = tpu.vector_load %arg27[%get3A_65] {strides = array<i32>} : memref<512xi32, #tpu.memory_space<vmem>>, vector<16xi32>,
      %gather3A_67 = tpu.vector_load_idx %arg20[%get3A_66] : memref<4096xf32, #tpu.memory_space<vmem>>[vector<16xi32>], vector<16xf32>,
      %gather3A_68 = tpu.vector_load_idx %arg21[%get3A_66] : memref<4096xf32, #tpu.memory_space<vmem>>[vector<16xi32>], vector<16xf32>,
      %gather3A_69 = tpu.vector_load_idx %arg22[%get3A_66] : memref<4096xf32, #tpu.memory_space<vmem>>[vector<16xi32>], vector<16xf32>,
      %sub3A_70 = arith.subf %get3A_11, %gather3A_67 : vector<16xf32>
      %sub3A_71 = arith.subf %get3A_13, %gather3A_68 : vector<16xf32>
      %sub3A_72 = arith.subf %get3A_15, %gather3A_69 : vector<16xf32>
      %mul3A_73 = arith.mulf %sub3A_70, %sub3A_70 : vector<16xf32>
      %mul3A_74 = arith.mulf %sub3A_71, %sub3A_71 : vector<16xf32>
      %add3A_75 = arith.addf %mul3A_73, %mul3A_74 : vector<16xf32>
      %mul3A_76 = arith.mulf %sub3A_72, %sub3A_72 : vector<16xf32>
      %add3A_77 = arith.addf %add3A_75, %mul3A_76 : vector<16xf32>
      %max3A_78 = arith.constant 9.99999968E-21 : f32
      %max3A_79 = vector.broadcast %max3A_78 : f32 to vector<16xf32>
      %max3A_80 = arith.maximumf %add3A_77, %max3A_79 : vector<16xf32>
      %bitcast_convert_type3A_81 = tpu.bitcast %max3A_80 : vector<16xf32> -> vector<16xi32>
      %shift_right_logical3A_82 = arith.constant 1 : i32
      %shift_right_logical3A_83 = vector.broadcast %shift_right_logical3A_82 : i32 to vector<16xi32>
      %shift_right_logical3A_84 = arith.shrui %bitcast_convert_type3A_81, %shift_right_logical3A_83 : vector<16xi32>
      %sub3A_85 = arith.constant 1597463007 : i32
      %sub3A_86 = vector.broadcast %sub3A_85 : i32 to vector<16xi32>
      %sub3A_87 = arith.subi %sub3A_86, %shift_right_logical3A_84 : vector<16xi32>
      %bitcast_convert_type3A_88 = tpu.bitcast %sub3A_87 : vector<16xi32> -> vector<16xf32>
      %mul3A_89 = arith.constant 5.000000e-01 : f32
      %mul3A_90 = vector.broadcast %mul3A_89 : f32 to vector<16xf32>
      %mul3A_91 = arith.mulf %mul3A_90, %max3A_80 : vector<16xf32>
      %mul3A_92 = arith.mulf %mul3A_91, %bitcast_convert_type3A_88 : vector<16xf32>
      %mul3A_93 = arith.mulf %mul3A_92, %bitcast_convert_type3A_88 : vector<16xf32>
      %sub3A_94 = arith.constant 1.500000e+00 : f32
      %sub3A_95 = vector.broadcast %sub3A_94 : f32 to vector<16xf32>
      %sub3A_96 = arith.subf %sub3A_95, %mul3A_93 : vector<16xf32>
      %mul3A_97 = arith.mulf %bitcast_convert_type3A_88, %sub3A_96 : vector<16xf32>
      %mul3A_98 = arith.constant 5.000000e-01 : f32
      %mul3A_99 = vector.broadcast %mul3A_98 : f32 to vector<16xf32>
      %mul3A_100 = arith.mulf %mul3A_99, %max3A_80 : vector<16xf32>
      %mul3A_101 = arith.mulf %mul3A_100, %mul3A_97 : vector<16xf32>
      %mul3A_102 = arith.mulf %mul3A_101, %mul3A_97 : vector<16xf32>
      %sub3A_103 = arith.constant 1.500000e+00 : f32
      %sub3A_104 = vector.broadcast %sub3A_103 : f32 to vector<16xf32>
      %sub3A_105 = arith.subf %sub3A_104, %mul3A_102 : vector<16xf32>
      %mul3A_106 = arith.mulf %mul3A_97, %sub3A_105 : vector<16xf32>
      %mul3A_107 = arith.constant 5.000000e-01 : f32
      %mul3A_108 = vector.broadcast %mul3A_107 : f32 to vector<16xf32>
      %mul3A_109 = arith.mulf %mul3A_108, %max3A_80 : vector<16xf32>
      %mul3A_110 = arith.mulf %mul3A_109, %mul3A_106 : vector<16xf32>
      %mul3A_111 = arith.mulf %mul3A_110, %mul3A_106 : vector<16xf32>
      %sub3A_112 = arith.constant 1.500000e+00 : f32
      %sub3A_113 = vector.broadcast %sub3A_112 : f32 to vector<16xf32>
      %sub3A_114 = arith.subf %sub3A_113, %mul3A_111 : vector<16xf32>
      %mul3A_115 = arith.mulf %mul3A_106, %sub3A_114 : vector<16xf32>
      %gather3A_116 = tpu.vector_load_idx %arg23[%get3A_66] : memref<4096xf32, #tpu.memory_space<vmem>>[vector<16xi32>], vector<16xf32>,
      %gather3A_117 = tpu.vector_load_idx %arg24[%get3A_66] : memref<4096xf32, #tpu.memory_space<vmem>>[vector<16xi32>], vector<16xf32>,
      %gather3A_118 = tpu.vector_load_idx %arg25[%get3A_66] : memref<4096xf32, #tpu.memory_space<vmem>>[vector<16xi32>], vector<16xf32>,
      %get3A_119 = arith.index_cast %mul3A_10 : i32 to index
      %get3A_120 = tpu.vector_load %arg28[%get3A_119] {strides = array<i32>} : memref<512xi32, #tpu.memory_space<vmem>>, vector<16xi32>,
      %gather3A_121 = tpu.vector_load_idx %arg20[%get3A_120] : memref<4096xf32, #tpu.memory_space<vmem>>[vector<16xi32>], vector<16xf32>,
      %gather3A_122 = tpu.vector_load_idx %arg21[%get3A_120] : memref<4096xf32, #tpu.memory_space<vmem>>[vector<16xi32>], vector<16xf32>,
      %gather3A_123 = tpu.vector_load_idx %arg22[%get3A_120] : memref<4096xf32, #tpu.memory_space<vmem>>[vector<16xi32>], vector<16xf32>,
      %sub3A_124 = arith.subf %get3A_11, %gather3A_121 : vector<16xf32>
      %sub3A_125 = arith.subf %get3A_13, %gather3A_122 : vector<16xf32>
      %sub3A_126 = arith.subf %get3A_15, %gather3A_123 : vector<16xf32>
      %mul3A_127 = arith.mulf %sub3A_124, %sub3A_124 : vector<16xf32>
      %mul3A_128 = arith.mulf %sub3A_125, %sub3A_125 : vector<16xf32>
      %add3A_129 = arith.addf %mul3A_127, %mul3A_128 : vector<16xf32>
      %mul3A_130 = arith.mulf %sub3A_126, %sub3A_126 : vector<16xf32>
      %add3A_131 = arith.addf %add3A_129, %mul3A_130 : vector<16xf32>
      %max3A_132 = arith.constant 9.99999968E-21 : f32
      %max3A_133 = vector.broadcast %max3A_132 : f32 to vector<16xf32>
      %max3A_134 = arith.maximumf %add3A_131, %max3A_133 : vector<16xf32>
      %bitcast_convert_type3A_135 = tpu.bitcast %max3A_134 : vector<16xf32> -> vector<16xi32>
      %shift_right_logical3A_136 = arith.constant 1 : i32
      %shift_right_logical3A_137 = vector.broadcast %shift_right_logical3A_136 : i32 to vector<16xi32>
      %shift_right_logical3A_138 = arith.shrui %bitcast_convert_type3A_135, %shift_right_logical3A_137 : vector<16xi32>
      %sub3A_139 = arith.constant 1597463007 : i32
      %sub3A_140 = vector.broadcast %sub3A_139 : i32 to vector<16xi32>
      %sub3A_141 = arith.subi %sub3A_140, %shift_right_logical3A_138 : vector<16xi32>
      %bitcast_convert_type3A_142 = tpu.bitcast %sub3A_141 : vector<16xi32> -> vector<16xf32>
      %mul3A_143 = arith.constant 5.000000e-01 : f32
      %mul3A_144 = vector.broadcast %mul3A_143 : f32 to vector<16xf32>
      %mul3A_145 = arith.mulf %mul3A_144, %max3A_134 : vector<16xf32>
      %mul3A_146 = arith.mulf %mul3A_145, %bitcast_convert_type3A_142 : vector<16xf32>
      %mul3A_147 = arith.mulf %mul3A_146, %bitcast_convert_type3A_142 : vector<16xf32>
      %sub3A_148 = arith.constant 1.500000e+00 : f32
      %sub3A_149 = vector.broadcast %sub3A_148 : f32 to vector<16xf32>
      %sub3A_150 = arith.subf %sub3A_149, %mul3A_147 : vector<16xf32>
      %mul3A_151 = arith.mulf %bitcast_convert_type3A_142, %sub3A_150 : vector<16xf32>
      %mul3A_152 = arith.constant 5.000000e-01 : f32
      %mul3A_153 = vector.broadcast %mul3A_152 : f32 to vector<16xf32>
      %mul3A_154 = arith.mulf %mul3A_153, %max3A_134 : vector<16xf32>
      %mul3A_155 = arith.mulf %mul3A_154, %mul3A_151 : vector<16xf32>
      %mul3A_156 = arith.mulf %mul3A_155, %mul3A_151 : vector<16xf32>
      %sub3A_157 = arith.constant 1.500000e+00 : f32
      %sub3A_158 = vector.broadcast %sub3A_157 : f32 to vector<16xf32>
      %sub3A_159 = arith.subf %sub3A_158, %mul3A_156 : vector<16xf32>
      %mul3A_160 = arith.mulf %mul3A_151, %sub3A_159 : vector<16xf32>
      %mul3A_161 = arith.constant 5.000000e-01 : f32
      %mul3A_162 = vector.broadcast %mul3A_161 : f32 to vector<16xf32>
      %mul3A_163 = arith.mulf %mul3A_162, %max3A_134 : vector<16xf32>
      %mul3A_164 = arith.mulf %mul3A_163, %mul3A_160 : vector<16xf32>
      %mul3A_165 = arith.mulf %mul3A_164, %mul3A_160 : vector<16xf32>
      %sub3A_166 = arith.constant 1.500000e+00 : f32
      %sub3A_167 = vector.broadcast %sub3A_166 : f32 to vector<16xf32>
      %sub3A_168 = arith.subf %sub3A_167, %mul3A_165 : vector<16xf32>
      %mul3A_169 = arith.mulf %mul3A_160, %sub3A_168 : vector<16xf32>
      %gather3A_170 = tpu.vector_load_idx %arg23[%get3A_120] : memref<4096xf32, #tpu.memory_space<vmem>>[vector<16xi32>], vector<16xf32>,
      %gather3A_171 = tpu.vector_load_idx %arg24[%get3A_120] : memref<4096xf32, #tpu.memory_space<vmem>>[vector<16xi32>], vector<16xf32>,
      %gather3A_172 = tpu.vector_load_idx %arg25[%get3A_120] : memref<4096xf32, #tpu.memory_space<vmem>>[vector<16xi32>], vector<16xf32>,
      %add3A_173 = arith.addf %mul3A_61, %mul3A_115 : vector<16xf32>
      %add3A_174 = arith.addf %add3A_173, %mul3A_169 : vector<16xf32>
      %div3A = arith.constant 1.000000e+00 : f32
      %div3A_175 = vector.broadcast %div3A : f32 to vector<16xf32>
      %div3A_176 = arith.divf %div3A_175, %add3A_174 : vector<16xf32>
      %mul3A_177 = arith.mulf %mul3A_61, %div3A_176 : vector<16xf32>
      %mul3A_178 = arith.mulf %mul3A_115, %div3A_176 : vector<16xf32>
      %mul3A_179 = arith.mulf %mul3A_169, %div3A_176 : vector<16xf32>
      %mul3A_180 = arith.mulf %mul3A_177, %gather3A_62 : vector<16xf32>
      %mul3A_181 = arith.mulf %mul3A_178, %gather3A_116 : vector<16xf32>
      %add3A_182 = arith.addf %mul3A_180, %mul3A_181 : vector<16xf32>
      %mul3A_183 = arith.mulf %mul3A_179, %gather3A_170 : vector<16xf32>
      %add3A_184 = arith.addf %add3A_182, %mul3A_183 : vector<16xf32>
      %swap3A = arith.index_cast %mul3A_10 : i32 to index
      %swap3A_185 = tpu.vector_load %arg29[%swap3A] {strides = array<i32>} : memref<512xf32, #tpu.memory_space<vmem>>, vector<16xf32>,
      tpu.vector_store %arg29[%swap3A], %add3A_184 {strides = array<i32>} : memref<512xf32, #tpu.memory_space<vmem>>, vector<16xf32>,
      %mul3A_186 = arith.mulf %mul3A_177, %gather3A_63 : vector<16xf32>
      %mul3A_187 = arith.mulf %mul3A_178, %gather3A_117 : vector<16xf32>
      %add3A_188 = arith.addf %mul3A_186, %mul3A_187 : vector<16xf32>
      %mul3A_189 = arith.mulf %mul3A_179, %gather3A_171 : vector<16xf32>
      %add3A_190 = arith.addf %add3A_188, %mul3A_189 : vector<16xf32>
      %swap3A_191 = arith.index_cast %mul3A_10 : i32 to index
      %swap3A_192 = tpu.vector_load %arg30[%swap3A_191] {strides = array<i32>} : memref<512xf32, #tpu.memory_space<vmem>>, vector<16xf32>,
      tpu.vector_store %arg30[%swap3A_191], %add3A_190 {strides = array<i32>} : memref<512xf32, #tpu.memory_space<vmem>>, vector<16xf32>,
      %mul3A_193 = arith.mulf %mul3A_177, %gather3A_64 : vector<16xf32>
      %mul3A_194 = arith.mulf %mul3A_178, %gather3A_118 : vector<16xf32>
      %add3A_195 = arith.addf %mul3A_193, %mul3A_194 : vector<16xf32>
      %mul3A_196 = arith.mulf %mul3A_179, %gather3A_172 : vector<16xf32>
      %add3A_197 = arith.addf %add3A_195, %mul3A_196 : vector<16xf32>
      %swap3A_198 = arith.index_cast %mul3A_10 : i32 to index
      %swap3A_199 = tpu.vector_load %arg31[%swap3A_198] {strides = array<i32>} : memref<512xf32, #tpu.memory_space<vmem>>, vector<16xf32>,
      tpu.vector_store %arg31[%swap3A_198], %add3A_197 {strides = array<i32>} : memref<512xf32, #tpu.memory_space<vmem>>, vector<16xf32>,
    }
    %scan3A_7 = arith.constant 32 : i32
    "tpu.region"() ({
      %run_scoped3A = tpu.sem_alloc : memref<!tpu.dma_semaphore, #tpu.memory_space<semaphore_mem>>
      %dma_start3A = tpu.memref_slice %arg14[%mul3A_2] : memref<16384xf32, #tpu.memory_space<hbm>> -> memref<512xf32, #tpu.memory_space<hbm>>
      %dma_start3A_8 = tpu.memref_slice %arg14[%mul3A_2] : memref<16384xf32, #tpu.memory_space<hbm>> -> memref<512xf32, #tpu.memory_space<hbm>>
      tpu.enqueue_dma source(%arg29 : memref<512xf32, #tpu.memory_space<vmem>>) target(%dma_start3A_8 : memref<512xf32, #tpu.memory_space<hbm>>) target_semaphore(%run_scoped3A : memref<!tpu.dma_semaphore, #tpu.memory_space<semaphore_mem>>)
      %dma_wait3A = tpu.memref_slice %arg14[%mul3A_2] : memref<16384xf32, #tpu.memory_space<hbm>> -> memref<512xf32, #tpu.memory_space<hbm>>
      %dma_wait3A_9 = tpu.memref_slice %arg14[%mul3A_2] : memref<16384xf32, #tpu.memory_space<hbm>> -> memref<512xf32, #tpu.memory_space<hbm>>
      tpu.wait_dma2 semaphore(%run_scoped3A : memref<!tpu.dma_semaphore, #tpu.memory_space<semaphore_mem>>) src(%arg29 : memref<512xf32, #tpu.memory_space<vmem>>) dst(%dma_wait3A_9 : memref<512xf32, #tpu.memory_space<hbm>>)
      tpu.yield
    }) : () -> ()
    "tpu.region"() ({
      %run_scoped3A = tpu.sem_alloc : memref<!tpu.dma_semaphore, #tpu.memory_space<semaphore_mem>>
      %dma_start3A = tpu.memref_slice %arg15[%mul3A_2] : memref<16384xf32, #tpu.memory_space<hbm>> -> memref<512xf32, #tpu.memory_space<hbm>>
      %dma_start3A_8 = tpu.memref_slice %arg15[%mul3A_2] : memref<16384xf32, #tpu.memory_space<hbm>> -> memref<512xf32, #tpu.memory_space<hbm>>
      tpu.enqueue_dma source(%arg30 : memref<512xf32, #tpu.memory_space<vmem>>) target(%dma_start3A_8 : memref<512xf32, #tpu.memory_space<hbm>>) target_semaphore(%run_scoped3A : memref<!tpu.dma_semaphore, #tpu.memory_space<semaphore_mem>>)
      %dma_wait3A = tpu.memref_slice %arg15[%mul3A_2] : memref<16384xf32, #tpu.memory_space<hbm>> -> memref<512xf32, #tpu.memory_space<hbm>>
      %dma_wait3A_9 = tpu.memref_slice %arg15[%mul3A_2] : memref<16384xf32, #tpu.memory_space<hbm>> -> memref<512xf32, #tpu.memory_space<hbm>>
      tpu.wait_dma2 semaphore(%run_scoped3A : memref<!tpu.dma_semaphore, #tpu.memory_space<semaphore_mem>>) src(%arg30 : memref<512xf32, #tpu.memory_space<vmem>>) dst(%dma_wait3A_9 : memref<512xf32, #tpu.memory_space<hbm>>)
      tpu.yield
    }) : () -> ()
    "tpu.region"() ({
      %run_scoped3A = tpu.sem_alloc : memref<!tpu.dma_semaphore, #tpu.memory_space<semaphore_mem>>
      %dma_start3A = tpu.memref_slice %arg16[%mul3A_2] : memref<16384xf32, #tpu.memory_space<hbm>> -> memref<512xf32, #tpu.memory_space<hbm>>
      %dma_start3A_8 = tpu.memref_slice %arg16[%mul3A_2] : memref<16384xf32, #tpu.memory_space<hbm>> -> memref<512xf32, #tpu.memory_space<hbm>>
      tpu.enqueue_dma source(%arg31 : memref<512xf32, #tpu.memory_space<vmem>>) target(%dma_start3A_8 : memref<512xf32, #tpu.memory_space<hbm>>) target_semaphore(%run_scoped3A : memref<!tpu.dma_semaphore, #tpu.memory_space<semaphore_mem>>)
      %dma_wait3A = tpu.memref_slice %arg16[%mul3A_2] : memref<16384xf32, #tpu.memory_space<hbm>> -> memref<512xf32, #tpu.memory_space<hbm>>
      %dma_wait3A_9 = tpu.memref_slice %arg16[%mul3A_2] : memref<16384xf32, #tpu.memory_space<hbm>> -> memref<512xf32, #tpu.memory_space<hbm>>
      tpu.wait_dma2 semaphore(%run_scoped3A : memref<!tpu.dma_semaphore, #tpu.memory_space<semaphore_mem>>) src(%arg31 : memref<512xf32, #tpu.memory_space<vmem>>) dst(%dma_wait3A_9 : memref<512xf32, #tpu.memory_space<hbm>>)
      tpu.yield
    }) : () -> ()
    return
  }
}

module attributes {stable_mosaic.version = 14 : i64} {
  func.func @_tc_body(%arg0: i32, %arg1: memref<3x1024xf32, #tpu.memory_space<vmem>>, %arg2: memref<3x4096xf32, #tpu.memory_space<vmem>>, %arg3: memref<1024x1xf32, #tpu.memory_space<vmem>>, %arg4: memref<1x4096xf32, #tpu.memory_space<vmem>>, %arg5: memref<1024x1xi32, #tpu.memory_space<vmem>>, %arg6: memref<1024x1xi32, #tpu.memory_space<vmem>>, %arg7: memref<1024x1xi32, #tpu.memory_space<vmem>>) attributes {dimension_semantics = [#tpu.dimension_semantics<arbitrary>], iteration_bounds = array<i64: 16>, scalar_prefetch = 0 : i64, scratch_operands = 0 : i64, tpu.core_type = #tpu.core_type<tc>, window_params = [{transform_indices = @transform_0, window_bounds = array<i64: 3, 1024>}, {pipeline_mode = #tpu.pipeline_mode<synchronous>, transform_indices = @transform_1, window_bounds = array<i64: 3, 4096>}, {transform_indices = @transform_2, window_bounds = array<i64: 1024, 1>}, {pipeline_mode = #tpu.pipeline_mode<synchronous>, transform_indices = @transform_3, window_bounds = array<i64: 1, 4096>}, {transform_indices = @transform_4, window_bounds = array<i64: 1024, 1>}, {transform_indices = @transform_5, window_bounds = array<i64: 1024, 1>}, {transform_indices = @transform_6, window_bounds = array<i64: 1024, 1>}]} {
    %get3A = arith.constant 0 : index
    %get3A_0 = arith.constant 0 : index
    %get3A_1 = vector.load %arg1[%get3A, %get3A_0] : memref<3x1024xf32, #tpu.memory_space<vmem>>, vector<3x1024xf32>
    %transpose3A = tpu.transpose %get3A_1, [1, 0] : vector<3x1024xf32> -> vector<1024x3xf32>
    %get3A_2 = arith.constant 0 : index
    %get3A_3 = arith.constant 0 : index
    %get3A_4 = vector.load %arg2[%get3A_2, %get3A_3] : memref<3x4096xf32, #tpu.memory_space<vmem>>, vector<3x4096xf32>
    %dot_general3A = arith.constant dense<0.000000e+00> : vector<1024x4096xf32>
    %dot_general3A_5 = tpu.matmul %transpose3A, %get3A_4, %dot_general3A {dimension_numbers = #tpu.dot_dimension_numbers<[1], [0], [0], [1], [0, 0, 1, 1], [], []>, transpose_lhs_hint = false} : vector<1024x3xf32>, vector<3x4096xf32>, vector<1024x4096xf32> -> vector<1024x4096xf32>
    %mul3A = arith.constant -2.000000e+00 : f32
    %mul3A_6 = vector.broadcast %mul3A : f32 to vector<1024x4096xf32>
    %mul3A_7 = arith.mulf %mul3A_6, %dot_general3A_5 : vector<1024x4096xf32>
    %get3A_8 = arith.constant 0 : index
    %get3A_9 = arith.constant 0 : index
    %get3A_10 = vector.load %arg3[%get3A_8, %get3A_9] : memref<1024x1xf32, #tpu.memory_space<vmem>>, vector<1024x1xf32>
    %add3A = vector.broadcast %get3A_10 : vector<1024x1xf32> to vector<1024x4096xf32>
    %add3A_11 = arith.addf %mul3A_7, %add3A : vector<1024x4096xf32>
    %get3A_12 = arith.constant 0 : index
    %get3A_13 = arith.constant 0 : index
    %get3A_14 = vector.load %arg4[%get3A_12, %get3A_13] : memref<1x4096xf32, #tpu.memory_space<vmem>>, vector<1x4096xf32>
    %add3A_15 = vector.broadcast %get3A_14 : vector<1x4096xf32> to vector<1024x4096xf32>
    %add3A_16 = arith.addf %add3A_11, %add3A_15 : vector<1024x4096xf32>
    %iota3A = tpu.iota {dimensions = array<i32: 1>} : vector<1024x4096xi32>
    %argmin3A = tpu.reduce_index %add3A_16 {axis = 1 : i32, kind = #tpu.reduction_kind<arg_min>} : vector<1024x4096xf32> -> vector<1024xi32>
    %broadcast_in_dim3A = vector.shape_cast %argmin3A : vector<1024xi32> to vector<1024x1xi32>
    %swap3A = arith.constant 0 : index
    %swap3A_17 = arith.constant 0 : index
    %swap3A_18 = vector.load %arg5[%swap3A, %swap3A_17] : memref<1024x1xi32, #tpu.memory_space<vmem>>, vector<1024x1xi32>
    tpu.vector_store %arg5[%swap3A, %swap3A_17], %broadcast_in_dim3A {strides = array<i32>} : memref<1024x1xi32, #tpu.memory_space<vmem>>, vector<1024x1xi32>,
    %eq3A = vector.broadcast %broadcast_in_dim3A : vector<1024x1xi32> to vector<1024x4096xi32>
    %eq3A_19 = arith.cmpi eq, %iota3A, %eq3A : vector<1024x4096xi32>
    %jit3A = arith.constant 0x7F800000 : f32
    %broadcast_in_dim3A_20 = vector.broadcast %jit3A : f32 to vector<1024x4096xf32>
    %select_n3A = arith.select %eq3A_19, %broadcast_in_dim3A_20, %add3A_16 : vector<1024x4096xi1>, vector<1024x4096xf32>
    %argmin3A_21 = tpu.reduce_index %select_n3A {axis = 1 : i32, kind = #tpu.reduction_kind<arg_min>} : vector<1024x4096xf32> -> vector<1024xi32>
    %broadcast_in_dim3A_22 = vector.shape_cast %argmin3A_21 : vector<1024xi32> to vector<1024x1xi32>
    %swap3A_23 = arith.constant 0 : index
    %swap3A_24 = arith.constant 0 : index
    %swap3A_25 = vector.load %arg6[%swap3A_23, %swap3A_24] : memref<1024x1xi32, #tpu.memory_space<vmem>>, vector<1024x1xi32>
    tpu.vector_store %arg6[%swap3A_23, %swap3A_24], %broadcast_in_dim3A_22 {strides = array<i32>} : memref<1024x1xi32, #tpu.memory_space<vmem>>, vector<1024x1xi32>,
    %eq3A_26 = vector.broadcast %broadcast_in_dim3A_22 : vector<1024x1xi32> to vector<1024x4096xi32>
    %eq3A_27 = arith.cmpi eq, %iota3A, %eq3A_26 : vector<1024x4096xi32>
    %jit3A_28 = arith.constant 0x7F800000 : f32
    %broadcast_in_dim3A_29 = vector.broadcast %jit3A_28 : f32 to vector<1024x4096xf32>
    %select_n3A_30 = arith.select %eq3A_27, %broadcast_in_dim3A_29, %select_n3A : vector<1024x4096xi1>, vector<1024x4096xf32>
    %argmin3A_31 = tpu.reduce_index %select_n3A_30 {axis = 1 : i32, kind = #tpu.reduction_kind<arg_min>} : vector<1024x4096xf32> -> vector<1024xi32>
    %broadcast_in_dim3A_32 = vector.shape_cast %argmin3A_31 : vector<1024xi32> to vector<1024x1xi32>
    %swap3A_33 = arith.constant 0 : index
    %swap3A_34 = arith.constant 0 : index
    %swap3A_35 = vector.load %arg7[%swap3A_33, %swap3A_34] : memref<1024x1xi32, #tpu.memory_space<vmem>>, vector<1024x1xi32>
    tpu.vector_store %arg7[%swap3A_33, %swap3A_34], %broadcast_in_dim3A_32 {strides = array<i32>} : memref<1024x1xi32, #tpu.memory_space<vmem>>, vector<1024x1xi32>,
    return
  }
  func.func @transform_0(%arg0: i32) -> (i32, i32) {
    %c0_i32 = arith.constant 0 : i32
    %c0_i32_0 = arith.constant 0 : i32
    return %c0_i32, %arg0 : i32, i32
  }
  func.func @transform_1(%arg0: i32) -> (i32, i32) {
    %c0_i32 = arith.constant 0 : i32
    %c0_i32_0 = arith.constant 0 : i32
    %c0_i32_1 = arith.constant 0 : i32
    return %c0_i32, %c0_i32_0 : i32, i32
  }
  func.func @transform_2(%arg0: i32) -> (i32, i32) {
    %c0_i32 = arith.constant 0 : i32
    %c0_i32_0 = arith.constant 0 : i32
    return %arg0, %c0_i32 : i32, i32
  }
  func.func @transform_3(%arg0: i32) -> (i32, i32) {
    %c0_i32 = arith.constant 0 : i32
    %c0_i32_0 = arith.constant 0 : i32
    %c0_i32_1 = arith.constant 0 : i32
    return %c0_i32, %c0_i32_0 : i32, i32
  }
  func.func @transform_4(%arg0: i32) -> (i32, i32) {
    %c0_i32 = arith.constant 0 : i32
    %c0_i32_0 = arith.constant 0 : i32
    return %arg0, %c0_i32 : i32, i32
  }
  func.func @transform_5(%arg0: i32) -> (i32, i32) {
    %c0_i32 = arith.constant 0 : i32
    %c0_i32_0 = arith.constant 0 : i32
    return %arg0, %c0_i32 : i32, i32
  }
  func.func @transform_6(%arg0: i32) -> (i32, i32) {
    %c0_i32 = arith.constant 0 : i32
    %c0_i32_0 = arith.constant 0 : i32
    return %arg0, %c0_i32 : i32, i32
  }
}

</mosaic_0001>

<sc_bundles>
// kernel: kernel.4.cloned.1.call-start
scs
__scs_entry_jumppad:
0x0: {  	(pc) =	sbr.rel $0x88, $3  }
0x1: {  	(tag) =	ssettag $0x0;
	lr =	simm.s32 $0x1  }
0x2: {  	[smem:$0x3F9E] =	sst lr;
	_ =	strace $0xD0000000  }
0x3: {  	_ = 	snop  }
0x4: {  	_ = 	snop  }
0x5: {  	_ = 	snop  }
0x6: {  	_ = 	snop  }
0x7: {  	_ = 	snop  }
__scs_overlays_trampoline_lowered:
0x8: {  	[smem:$0x3FAD] =	sst s0  }
0x9: {  	[smem:$0x3FAE] =	sst s1  }
0xa: {  	[smem:$0x3FAF] =	sst s2  }
0xb: {  	[smem:$0x3FB0] =	sst s3  }
0xc: {  	[smem:$0x3FB1] =	sst s4  }
0xd: {  	[smem:$0x3FB2] =	sst s5  }
0xe: {  	[smem:$0x3FB3] =	sst s6  }
0xf: {  	[smem:$0x3FB4] =	sst s7  }
0x10: {  	[smem:$0x3FB5] =	sst s8  }
0x11: {  	[smem:$0x3FB6] =	sst s9;
	s0 =	simm.s32 @!p0 $0x0  }
0x12: {  	s1 =	sld [smem:$0x3F9C];
	s0 =	simm.s32 @p0 $0x1  }
0x13: {  	[smem:$0x3FB7] =	sst s0;
	s0 =	simm.s32 @!p1 $0x0  }
0x14: {  	s2 =	sld [smem:$0x3F9B];
	s0 =	simm.s32 @p1 $0x1  }
0x15: {  	[smem:$0x3FB8] =	sst s0;
	s0 =	simm.s32 @!p2 $0x0  }
0x16: {  	s3 =	sld [smem:$0x3FDB];
	s0 =	simm.s32 @p2 $0x1  }
0x17: {  	s4 =	simm.s32 $0x1BF5;
	[smem:$0x3FBA] =	sst s0  }
0x18: {  	s0 =	sld [smem:$0x3F9D];
	_ =	swait.ge [sflag:s4], $0x0  }
0x19: {  	s7 =	sld [smem:$0x3F9E]  }
0x1a: {  	s8 =	sadd.s32 $0xFFFFE003, lr  }
0x1b: {  	s9 =	sadd.s32 $0xFFFFFEF7, lr;
	s5 =	simm.s32 $0xFFFFFFFF;
	p2 =	slt.u32 s8, $0xFFFFF086  }
0x1c: {  	p1 =	slt.u32 s9, $0xF7A;
	s5 =	simm.s32 @!p2 $0x0  }
0x1d: {  	s5 =	simm.s32 @p1 $0x1;
	p0 =	seq.s32 s7, s2  }
0x1e: {  	s7 =	smul.u32 @!p0 $0xF7A, s2;
	p2 =	seq.s32 @!p0 s5, $0x0  }
0x1f: {  	s9 =	smul.u32 $0xF7A, s1;
	s8 =	simm.s32 @!p0 $0x1BF5;
	p2 =	por !p2, p0  }
0x20: {  	[sflag:s8] =	ssyncset.s32 @!p0 $0xFFFFF086;
	s6 =	sadd.s32 @!p0 s3, s7;
	s7 =	simm.s32 @!p0 $0x108  }
0x21: {  	s3 =	sadd.s32 s3, s9;
	s6 =	sadd.s32 @!p0 $0x88, s6;
	s7 =	simm.s32 @p2 $0x1082  }
0x22: {  	[simem:s7], [sflag:s8] =	dma.local @!p0 [hbm:s6], $0xF7A  }
0x23: {  	s9 =	sor.u32 $0xD0000000, s2;
	s6 =	simm.s32 $0x108;
	_ =	swait.ge @!p0 [sflag:s8], $0x0  }
0x24: {  	s3 =	sadd.s32 $0x88, s3;
	s6 =	simm.s32 @!p1 $0x1082;
	[sflag:s4] =	ssyncset.s32 $0xFFFFF086  }
0x25: {  	[simem:s6], [sflag:s4] =	dma.local [hbm:s3], $0xF7A  }
0x26: {  	[smem:$0x3F9E] =	sst s1;
	(tag) =	ssettag s2;
	_ =	strace s9  }
0x27: {  	s1 =	sld [smem:$0x3FAE]  }
0x28: {  	s2 =	sld [smem:$0x3FAF]  }
0x29: {  	s4 =	sld [smem:$0x3FB1]  }
0x2a: {  	p0 =	seq.s32 s5, $0x0;
	s5 =	sld [smem:$0x3FB2]  }
0x2b: {  	s6 =	sld [smem:$0x3FB3]  }
0x2c: {  	s7 =	sld [smem:$0x3FB4]  }
0x2d: {  	s3 =	simm.s32 $0x108;
	s8 =	sld [smem:$0x3FB5]  }
0x2e: {  	s3 =	simm.s32 @!p0 $0x1082;
	s9 =	sld [smem:$0x3FB6]  }
0x2f: {  	lr =	sadd.s32 s0, s3;
	s0 =	sld [smem:$0x3FAD]  }
0x30: {  	s3 =	sld [smem:$0x3FB0]  }
0x31: {  	[smem:$0x3FB9] =	sst s10  }
0x32: {  	s10 =	sld [smem:$0x3FB7];
	_ =	sdelay $0x3  }
0x33: {  	p0 =	seq.s32 s10, $0x1;
	s10 =	sld [smem:$0x3FB9];
	_ =	sdelay $0x3  }
0x34: {  	[smem:$0x3FB9] =	sst s10  }
0x35: {  	s10 =	sld [smem:$0x3FB8];
	_ =	sdelay $0x3  }
0x36: {  	p1 =	seq.s32 s10, $0x1;
	s10 =	sld [smem:$0x3FB9];
	_ =	sdelay $0x3  }
0x37: {  	[smem:$0x3FB9] =	sst s10  }
0x38: {  	s10 =	sld [smem:$0x3FBA]  }
0x39: {  	_ = 	snop;
	(pc) =	sbr.ind lr, $3  }
0x3a: {  	_ = 	snop  }
0x3b: {  	_ = 	snop  }
0x3c: {  	p2 =	seq.s32 s10, $0x1;
	s10 =	sld [smem:$0x3FB9]  }
0x3d: {  	_ =	shalt  }
0x3e: {  	_ =	shalt  }
0x3f: {  	_ =	shalt  }
0x40: {  	_ =	shalt  }
0x41: {  	_ =	shalt  }
0x42: {  	_ =	shalt  }
0x43: {  	_ =	shalt  }
0x44: {  	_ =	shalt  }
0x45: {  	_ =	shalt  }
0x46: {  	_ =	shalt  }
0x47: {  	_ =	shalt  }
0x48: {  	_ =	shalt  }
0x49: {  	_ =	shalt  }
0x4a: {  	_ =	shalt  }
0x4b: {  	_ =	shalt  }
0x4c: {  	_ =	shalt  }
0x4d: {  	_ =	shalt  }
0x4e: {  	_ =	shalt  }
0x4f: {  	_ =	shalt  }
0x50: {  	_ =	shalt  }
0x51: {  	_ =	shalt  }
0x52: {  	_ =	shalt  }
0x53: {  	_ =	shalt  }
0x54: {  	_ =	shalt  }
0x55: {  	_ =	shalt  }
0x56: {  	_ =	shalt  }
0x57: {  	_ =	shalt  }
0x58: {  	_ =	shalt  }
0x59: {  	_ =	shalt  }
0x5a: {  	_ =	shalt  }
0x5b: {  	_ =	shalt  }
0x5c: {  	_ =	shalt  }
0x5d: {  	_ =	shalt  }
0x5e: {  	_ =	shalt  }
0x5f: {  	_ =	shalt  }
0x60: {  	_ =	shalt  }
0x61: {  	_ =	shalt  }
0x62: {  	_ =	shalt  }
0x63: {  	_ =	shalt  }
0x64: {  	_ =	shalt  }
0x65: {  	_ =	shalt  }
0x66: {  	_ =	shalt  }
0x67: {  	_ =	shalt  }
0x68: {  	_ =	shalt  }
0x69: {  	_ =	shalt  }
0x6a: {  	_ =	shalt  }
0x6b: {  	_ =	shalt  }
0x6c: {  	_ =	shalt  }
0x6d: {  	_ =	shalt  }
0x6e: {  	_ =	shalt  }
0x6f: {  	_ =	shalt  }
0x70: {  	_ =	shalt  }
0x71: {  	_ =	shalt  }
0x72: {  	_ =	shalt  }
0x73: {  	_ =	shalt  }
0x74: {  	_ =	shalt  }
0x75: {  	_ =	shalt  }
0x76: {  	_ =	shalt  }
0x77: {  	_ =	shalt  }
0x78: {  	_ =	shalt  }
0x79: {  	_ =	shalt  }
0x7a: {  	_ =	shalt  }
0x7b: {  	_ =	shalt  }
0x7c: {  	_ =	shalt  }
0x7d: {  	_ =	shalt  }
0x7e: {  	_ =	shalt  }
0x7f: {  	_ =	shalt  }
0x80: {  	_ =	shalt  }
0x81: {  	_ =	shalt  }
0x82: {  	_ =	shalt  }
0x83: {  	_ =	shalt  }
0x84: {  	_ =	shalt  }
0x85: {  	_ =	shalt  }
0x86: {  	_ =	shalt  }
0x87: {  	_ =	shalt  }
.Lfunc_end0:
.L_simem_size_0:
called_computation_lowered:
.L_overlay_start_0:
0x88: {  	s2 =	sld [smem:$0x3FD9]  }
0x89: {  	s3 =	sld [smem:$0x3FFE];
	_ =	sdelay $0x1  }
0x8a: {  	s1 =	srdreg.scid  }
0x8b: {  	s0 =	sand.u32 $0x1, s1  }
0x8c: {  	s17 =	sshll.u32 s0, $0xA;
	s2 =	sadd.s32 s3, s2  }
0x8d: {  	s2 =	sadd.s32 s2, s17  }
0x8e: {  	[smem:$0x3FC5] =	sst s2  }
0x8f: {  	_ = 	snop  }
0x90: {  	s2 =	sld [smem:$0x3FD0];
	(tm) =	ssettm $0x1  }
0x91: {  	s18 =	sld [smem:$0x3FFB];
	_ =	sdelay $0x3  }
0x92: {  	_ =	strace s18  }
0x93: {  	s3 =	sld [smem:$0x3FFC];
	_ =	sdelay $0x3  }
0x94: {  	_ =	strace s3  }
0x95: {  	s3 =	sld [smem:$0x3FFD];
	_ =	sdelay $0x3  }
0x96: {  	_ =	strace s3  }
0x97: {  	_ =	strace $0x8FFFFFFF  }
0x98: {  	s19 =	sld [smem:$0x3FDB];
	_ =	sdelay $0x1  }
0x99: {  	s4 =	simm.s32 $_scs_section_size  }
0x9a: {  	s5 =	simm.s32 $_size__tile_overlayer_lowered;
	s6 =	simm.s32 $_tile_overlayer_lowered  }
0x9b: {  	s22 =	simm.s32 $0x1BFF;
	s21 =	sshll.u32 s6, $0x1;
	s3 =	sadd.s32 s4, s19  }
0x9c: {  	s7 =	simm.s32 $0x0;
	s20 =	sshll.u32 s5, $0x1;
	s5 =	sadd.s32 s21, s3  }
0x9d: {  	[timem:s7], [sflag:s22] =	dma.local [hbm:s5], s20  }
0x9e: {  	_ =	swait.ge [sflag:s22], s20  }
0x9f: {  	s4 =	ssub.s32 $0x0, s20;
	[sflag:s22] =	ssyncset.done $0x0  }
0xa0: {  	[sflag:s22] =	ssyncadd.s32 s4;
	_ =	sdelay $0x1  }
0xa1: {  	s23 =	simm.s32 $0x1B8B  }
0xa2: {  	_ =	swait.ge [sflag:s23], $0x1  }
0xa3: {  	[sflag:s23] =	ssyncset.done $0x0  }
0xa4: {  	s25 =	simm.s32 $0x1B8E;
	s24 =	sld [smem:$0x3FFE];
	[sflag:s23] =	ssyncadd.s32 $0xFFFFFFFF  }
0xa5: {  	s26 =	simm.s32 $execute0_lowered;
	[smem:$0x3FD2] =	sst s25  }
0xa6: {  	s5 =	sshll.u32 s26, $0x1;
	_ =	strace $0x80000046;
	[dreg:$0x1] =	wrdreg $0xFFFFFFFF  }
0xa7: {  	s28 =	simm.s32 $_size_execute0_lowered;
	s3 =	sadd.s32 s3, s5;
	[dreg:$0x0] =	wrdreg $0x0  }
0xa8: {  	s5 =	sshll.u32 s28, $0x1;
	[dreg:$0x2] =	wrdreg s3  }
0xa9: {  	[dreg:$0x3] =	wrdreg s5  }
0xaa: {  	[dreg:$0x4] =	wrdreg $0xC0  }
0xab: {  	_ =	task [dreg:s7], $0x5FFFF  }
0xac: {  	[dreg:$0x1] =	wrdreg $0xFFFFFFFF  }
0xad: {  	[dreg:$0x0] =	wrdreg $0x60  }
0xae: {  	[dreg:$0x2] =	wrdreg s2  }
0xaf: {  	[dreg:$0x3] =	wrdreg s24  }
0xb0: {  	[dreg:$0x4] =	wrdreg $0x9  }
0xb1: {  	_ =	task.clear_ibuf [dreg:s7], $0x5FFFF;
	_ =	strace $0x90000046  }
0xb2: {  	s29 =	simm.s32 $0x9;
	_ =	strace $0x80000048  }
0xb3: {  	_ =	swait.ge [sflag:s29], $0x1  }
0xb4: {  	[sflag:s29] =	ssyncadd.s32 $0xFFFFFFFF  }
0xb5: {  	_ =	strace $0x90000048  }
0xb6: {  	_ =	sfence  }
0xb7: {  	s30 =	sld [smem:$0x0];
	_ =	sdelay $0x2  }
0xb8: {  	s31 =	sshll.u32 s1, $0xD;
	s1 =	sshrl.u32 s1, $0x2  }
0xb9: {  	s3 =	sand.u32 $0x4000, s31;
	s1 =	sadd.s32 s1, s30  }
0xba: {  	s0 =	sor.u32 s3, s0;
	s1 =	sshll.u32 s1, $0x11  }
0xbb: {  	s0 =	sor.u32 s1, s0  }
0xbc: {  	s0 =	sadd.s32 $0x8F2B, s0  }
0xbd: {  	[sflag:s0] =	ssyncadd.remote.s32 $0x1  }
0xbe: {  	_ =	sfence.sel $0xFFFF  }
0xbf: {  	[dreg:$0x0] =	wrdreg $0xFFFFFFFF;
	(pc) =	sbr.abs _section_cstart, $3  }
0xc0: {  	[dreg:$0x1] =	wrdreg $0xFFFFFFFF  }
0xc1: {  	_ =	task.clear_ibuf [dreg:s7], $0x2FFFF;
	_ =	strace $0x9FFFFFFF  }
0xc2: {  	(tm) =	ssettm $0x7FFFFFFF  }
0xc3: {  	_ =	shalt  }
tec
execute0_lowered:
.L_overlay_start_1:
0x0: {  	(tag) =	ssettag $0x1  }
0x1: {  	s0 =	rddreg [dreg:$0x0]  }
0x2: {  	s1 =	rddreg [dreg:$0x1]  }
0x3: {  	s2 =	simm.s32 $0x0;
	s3 =	srdreg.scid;
	s7 =	stileid.u32  }
0x4: {  	s19 =	simm.s32 $0x1;
	s25 =	simm.s32 $0x600;
	s26 =	simm.s32 $0x1600  }
0x5: {  	s28 =	simm.s32 $0x2600;
	s29 =	simm.s32 $0x3600;
	s30 =	simm.s32 $0x4600  }
0x6: {  	s31 =	simm.s32 $0x5600;
	s20 =	simm.s32 $0x7000;
	s21 =	simm.s32 $0x0  }
0x7: {  	[smem:$0x7FF] =	sst s2;
	s4 =	sadd.s32 $0x41600, s1;
	s5 =	sadd.s32 $0x41400, s1  }
0x8: {  	s3 =	sand.u32 $0x1, s3;
	s6 =	sadd.s32 $0x200, s1;
	s8 =	sshll.u32 s7, $0x7  }
0x9: {  	s7 =	sadd.s32 $0x1E00, s1;
	s9 =	sshll.u32 s3, $0x6;
	s3 =	ssub.s32 $0x2, s3  }
0xa: {  	_ =	strace $0x80000047;
	s9 =	sor.u32 s9, s8;
	s10 =	sshrl.u32 s3, $0x1  }
0xb: {  	s8 =	sadd.s32 $0x1C00, s1;
	s17 =	sadd.s32 s9, s1;
	s3 =	ssub.s32 s3, s10  }
0xc: {  	s9 =	sadd.s32 s0, s9;
	s0 =	simm.s32 $0x6C00;
	s10 =	sadd.s32 $0x40C00, s17  }
0xd: {  	s11 =	sadd.s32 $0x40400, s17;
	s12 =	sadd.s32 $0x400, s17;
	s13 =	sadd.s32 $0xC00, s17  }
0xe: {  	s14 =	sadd.s32 $0x1400, s17;
	s15 =	sadd.s32 $0x2000, s17;
	s16 =	sadd.s32 $0x2800, s17  }
0xf: {  	s17 =	sadd.s32 $0x3000, s17;
	s18 =	smax.u32 s3, $0x1;
	s3 =	simm.s32 $0x6E00  }
.LBB2_1:
0x10: {  	[tilespmem:s2], [sflag:$0x1] =	stream.linear.gather [hbm4b:s9+s2], $0x200, $0x38;
	[tilespmem:$0x7200] =	vst v63  }
0x11: {  	_ =	swait.ge [sflag:s19], $0x200  }
0x12: {  	[sflag:s19] =	ssyncset.done $0x0  }
0x13: {  	s22 =	simm.s32 $0x200;
	[sflag:s19] =	ssyncadd.s32 $0xFFFFFE00  }
0x14: {  	[tilespmem:s22], [sflag:$0x1] =	stream.linear.gather [hbm4b:s10+s2], $0x200, $0x38;
	[tilespmem:$0x7200] =	vst v63  }
0x15: {  	_ =	swait.ge [sflag:s19], $0x200  }
0x16: {  	[sflag:s19] =	ssyncset.done $0x0  }
0x17: {  	s23 =	simm.s32 $0x400;
	[sflag:s19] =	ssyncadd.s32 $0xFFFFFE00  }
0x18: {  	[tilespmem:s23], [sflag:$0x1] =	stream.linear.gather [hbm4b:s11+s2], $0x200, $0x38;
	[tilespmem:$0x7200] =	vst v63  }
0x19: {  	_ =	swait.ge [sflag:s19], $0x200  }
0x1a: {  	[sflag:s19] =	ssyncset.done $0x0  }
0x1b: {  	s24 =	simm.s32 $0x6600;
	[sflag:s19] =	ssyncadd.s32 $0xFFFFFE00  }
0x1c: {  	[tilespmem:s24], [sflag:$0x1] =	stream.linear.gather [hbm4b:s12+s2], $0x200, $0x38;
	[tilespmem:$0x7200] =	vst v63  }
0x1d: {  	_ =	swait.ge [sflag:s19], $0x200  }
0x1e: {  	[sflag:s19] =	ssyncset.done $0x0  }
0x1f: {  	s23 =	simm.s32 $0x6800;
	[sflag:s19] =	ssyncadd.s32 $0xFFFFFE00  }
0x20: {  	[tilespmem:s23], [sflag:$0x1] =	stream.linear.gather [hbm4b:s13+s2], $0x200, $0x38;
	[tilespmem:$0x7200] =	vst v63  }
0x21: {  	_ =	swait.ge [sflag:s19], $0x200  }
0x22: {  	[sflag:s19] =	ssyncset.done $0x0  }
0x23: {  	s24 =	simm.s32 $0x6A00;
	[sflag:s19] =	ssyncadd.s32 $0xFFFFFE00  }
0x24: {  	[tilespmem:s24], [sflag:$0x1] =	stream.linear.gather [hbm4b:s14+s2], $0x200, $0x38;
	[tilespmem:$0x7200] =	vst v63  }
0x25: {  	_ =	swait.ge [sflag:s19], $0x200  }
0x26: {  	[sflag:s19] =	ssyncset.done $0x0  }
0x27: {  	[sflag:s19] =	ssyncadd.s32 $0xFFFFFE00  }
0x28: {  	[tilespmem:s25], [sflag:$0x1] =	stream.linear.gather [hbm4b:s1+s2], $0x1000, $0x38;
	[tilespmem:$0x7200] =	vst v63  }
0x29: {  	_ =	swait.ge [sflag:s19], $0x1000  }
0x2a: {  	[sflag:s19] =	ssyncset.done $0x0  }
0x2b: {  	[sflag:s19] =	ssyncadd.s32 $0xFFFFF000  }
0x2c: {  	[tilespmem:s26], [sflag:$0x1] =	stream.linear.gather [hbm4b:s4+s2], $0x1000, $0x38;
	[tilespmem:$0x7200] =	vst v63  }
0x2d: {  	_ =	swait.ge [sflag:s19], $0x1000  }
0x2e: {  	[sflag:s19] =	ssyncset.done $0x0  }
0x2f: {  	[sflag:s19] =	ssyncadd.s32 $0xFFFFF000  }
0x30: {  	[tilespmem:s28], [sflag:$0x1] =	stream.linear.gather [hbm4b:s5+s2], $0x1000, $0x38;
	[tilespmem:$0x7200] =	vst v63  }
0x31: {  	_ =	swait.ge [sflag:s19], $0x1000  }
0x32: {  	[sflag:s19] =	ssyncset.done $0x0  }
0x33: {  	[sflag:s19] =	ssyncadd.s32 $0xFFFFF000  }
0x34: {  	[tilespmem:s29], [sflag:$0x1] =	stream.linear.gather [hbm4b:s6+s2], $0x1000, $0x38;
	[tilespmem:$0x7200] =	vst v63  }
0x35: {  	_ =	swait.ge [sflag:s19], $0x1000  }
0x36: {  	[sflag:s19] =	ssyncset.done $0x0  }
0x37: {  	[sflag:s19] =	ssyncadd.s32 $0xFFFFF000  }
0x38: {  	[tilespmem:s30], [sflag:$0x1] =	stream.linear.gather [hbm4b:s7+s2], $0x1000, $0x38;
	[tilespmem:$0x7200] =	vst v63  }
0x39: {  	_ =	swait.ge [sflag:s19], $0x1000  }
0x3a: {  	[sflag:s19] =	ssyncset.done $0x0  }
0x3b: {  	[sflag:s19] =	ssyncadd.s32 $0xFFFFF000  }
0x3c: {  	[tilespmem:s31], [sflag:$0x1] =	stream.linear.gather [hbm4b:s8+s2], $0x1000, $0x38;
	[tilespmem:$0x7200] =	vst v63  }
0x3d: {  	_ =	swait.ge [sflag:s19], $0x1000  }
0x3e: {  	[sflag:s19] =	ssyncset.done $0x0  }
0x3f: {  	s22 =	simm.s32 $0x0;
	[sflag:s19] =	ssyncadd.s32 $0xFFFFF000  }
0x40: {  	v0 =	vld [tilespmem:s22+$0x6600];
	_ =	sdelay $0x2  }
0x41: {  	v1 =	vld [tilespmem:s22+$0x6800]  }
0x42: {  	v7 =	vld [tilespmem:s22+$0x6A00]  }
0x43: {  	v2 =	vld [tilespmem:s22+$0x200]  }
0x44: {  	v3 =	vld [tilespmem:s22+$0x0]  }
0x45: {  	v4 =	vld [tilespmem:s22+$0x400]  }
0x46: {  	v5 =	vld.idx.msk [tilespmem:v0+s28+$0x0], $0xffff  }
0x47: {  	v6 =	vld.idx.msk [tilespmem:v0+s25+$0x0], $0xffff  }
0x48: {  	v8 =	vld.idx.msk [tilespmem:v0+s26+$0x0], $0xffff  }
0x49: {  	v9 =	vld.idx.msk [tilespmem:v1+s25+$0x0], $0xffff  }
0x4a: {  	v10 =	vld.idx.msk [tilespmem:v1+s26+$0x0], $0xffff  }
0x4b: {  	v11 =	vld.idx.msk [tilespmem:v7+s26+$0x0], $0xffff  }
0x4c: {  	v13 =	vld.idx.msk [tilespmem:v7+s25+$0x0], $0xffff  }
0x4d: {  	v12 =	vld.idx.msk [tilespmem:v1+s28+$0x0], $0xffff;
	v6 =	vsub.f32 v3, v6;
	v8 =	vsub.f32 v2, v8  }
0x4e: {  	v14 =	vld.idx.msk [tilespmem:v7+s28+$0x0], $0xffff;
	v5 =	vsub.f32 v4, v5  }
0x4f: {  	v9 =	vsub.f32 v3, v9;
	v6 =	vmul.f32 v6, v6;
	v8 =	vmul.f32 v8, v8  }
0x50: {  	v10 =	vsub.f32 v2, v10;
	v2 =	vsub.f32 v2, v11  }
0x51: {  	v3 =	vsub.f32 v3, v13;
	v5 =	vmul.f32 v5, v5;
	v6 =	vadd.f32 v8, v6  }
0x52: {  	v8 =	vmul.f32 v9, v9;
	v9 =	vmul.f32 v10, v10;
	v10 =	vsub.f32 v4, v12  }
0x53: {  	v2 =	vmul.f32 v2, v2;
	v3 =	vmul.f32 v3, v3;
	v4 =	vsub.f32 v4, v14  }
0x54: {  	v5 =	vadd.f32 v5, v6;
	v6 =	vadd.f32 v9, v8;
	v8 =	vmul.f32 v10, v10  }
0x55: {  	v2 =	vadd.f32 v2, v3;
	v3 =	vmul.f32 v4, v4  }
0x56: {  	v6 =	vadd.f32 v8, v6  }
0x57: {  	v5 =	vmax.f32 v5, $9.999999680e-21;
	v2 =	vadd.f32 v3, v2  }
0x58: {  	v4 =	vshrl.u32 v5, $0x1;
	v5 =	vmul.f32 $5.000000000e-01, v5;
	v6 =	vmax.f32 v6, $9.999999680e-21  }
0x59: {  	v3 =	vsub.s32 $0x5F3759DF, v4;
	v4 =	vshrl.u32 v6, $0x1;
	v6 =	vmul.f32 $5.000000000e-01, v6  }
0x5a: {  	v2 =	vmax.f32 v2, $9.999999680e-21;
	v8 =	vmul.f32 v3, v5;
	v4 =	vsub.s32 $0x5F3759DF, v4  }
0x5b: {  	v10 =	vshrl.u32 v2, $0x1;
	v2 =	vmul.f32 $5.000000000e-01, v2;
	v9 =	vmul.f32 v4, v6  }
0x5c: {  	v10 =	vsub.s32 $0x5F3759DF, v10;
	v8 =	vmul.f32 v3, v8  }
0x5d: {  	v11 =	vmul.f32 v10, v2;
	v9 =	vmul.f32 v4, v9  }
0x5e: {  	v8 =	vsub.f32 $1.500000000e+00, v8  }
0x5f: {  	v11 =	vmul.f32 v10, v11;
	v9 =	vsub.f32 $1.500000000e+00, v9  }
0x60: {  	v3 =	vmul.f32 v3, v8  }
0x61: {  	v8 =	vsub.f32 $1.500000000e+00, v11;
	v4 =	vmul.f32 v4, v9  }
0x62: {  	v9 =	vmul.f32 v3, v5  }
0x63: {  	v8 =	vmul.f32 v10, v8;
	v11 =	vmul.f32 v4, v6  }
0x64: {  	v9 =	vmul.f32 v9, v3  }
0x65: {  	v10 =	vmul.f32 v11, v4;
	v11 =	vmul.f32 v8, v2  }
0x66: {  	v9 =	vsub.f32 $1.500000000e+00, v9  }
0x67: {  	v10 =	vsub.f32 $1.500000000e+00, v10;
	v11 =	vmul.f32 v11, v8  }
0x68: {  	v3 =	vmul.f32 v9, v3  }
0x69: {  	v4 =	vmul.f32 v10, v4;
	v9 =	vsub.f32 $1.500000000e+00, v11  }
0x6a: {  	v5 =	vmul.f32 v3, v5  }
0x6b: {  	v6 =	vmul.f32 v4, v6;
	v8 =	vmul.f32 v9, v8  }
0x6c: {  	v5 =	vmul.f32 v5, v3  }
0x6d: {  	v6 =	vmul.f32 v6, v4;
	v2 =	vmul.f32 v8, v2;
	_ =	sdelay $0x1  }
0x6e: {  	v5 =	vsub.f32 $1.500000000e+00, v5;
	v6 =	vsub.f32 $1.500000000e+00, v6;
	v2 =	vmul.f32 v2, v8;
	_ =	sdelay $0x1  }
0x6f: {  	v62 =	vmul.f32 v5, v3;
	v11 =	vmul.f32 v6, v4;
	v2 =	vsub.f32 $1.500000000e+00, v2;
	_ =	sdelay $0x1  }
0x70: {  	v8 =	vmul.f32 v2, v8;
	v2 =	vadd.f32 v11, v62;
	_ =	sdelay $0x1  }
0x71: {  	v2 =	vadd.f32 v8, v2;
	_ =	sdelay $0x1  }
0x72: {  	(erf) = vrcp.f32 v2;
	_ =	sdelay $0x2  }
0x73: {  	v10 =	vld.idx.msk [tilespmem:v1+s29+$0x0], $0xffff  }
0x74: {  	v9 =	vld.idx.msk [tilespmem:v0+s31+$0x0], $0xffff  }
0x75: {  	v3 =	vld.idx.msk [tilespmem:v7+s30+$0x0], $0xffff  }
0x76: {  	v5 =	vld.idx.msk [tilespmem:v0+s30+$0x0], $0xffff  }
0x77: {  	v4 =	vld.idx.msk [tilespmem:v0+s29+$0x0], $0xffff  }
0x78: {  	v2 =	vld.idx.msk [tilespmem:v1+s31+$0x0], $0xffff  }
0x79: {  	v1 =	vld.idx.msk [tilespmem:v1+s30+$0x0], $0xffff;
	v63 =	vpop (erf)  }
0x7a: {  	v6 =	vld.idx.msk [tilespmem:v7+s31+$0x0], $0xffff;
	v0 =	vmul.f32 v63, v62;
	v11 =	vmul.f32 v63, v11  }
0x7b: {  	s23 =	simm.s32 $0x40;
	v7 =	vld.idx.msk [tilespmem:v7+s29+$0x0], $0xffff;
	v8 =	vmul.f32 v63, v8  }
.LBB2_2:
0x7c: {  	p0 =	sne.s32 s23, $0x7C0;
	v10 =	vmul.f32 v11, v10;
	v9 =	vmul.f32 v0, v9;
	s24 =	smov.u32 s23;
	s23 =	sadd.s32 $0x40, s23  }
0x7d: {  	v5 =	vmul.f32 v0, v5;
	v12 =	vmul.f32 v11, v2;
	s24 =	sshra.s32 s24, $0x2  }
0x7e: {  	v4 =	vmul.f32 v0, v4;
	v11 =	vmul.f32 v11, v1;
	v2 =	vld [tilespmem:s24+$0x6600]  }
0x7f: {  	v9 =	vadd.f32 v12, v9;
	v6 =	vmul.f32 v8, v6;
	v1 =	vld [tilespmem:s24+$0x6800]  }
0x80: {  	v3 =	vmul.f32 v8, v3;
	v4 =	vadd.f32 v10, v4;
	v7 =	vmul.f32 v8, v7;
	v0 =	vld [tilespmem:s24+$0x6A00]  }
0x81: {  	v5 =	vadd.f32 v11, v5;
	v6 =	vadd.f32 v9, v6  }
0x82: {  	v4 =	vadd.f32 v4, v7  }
0x83: {  	v3 =	vadd.f32 v5, v3;
	v7 =	vld [tilespmem:s24+$0x200];
	[tilespmem:s22+$0x7000] =	vst v6  }
0x84: {  	v5 =	vld [tilespmem:s24+$0x0];
	[tilespmem:s22+$0x6C00] =	vst v4  }
0x85: {  	v4 =	vld [tilespmem:s24+$0x400];
	[tilespmem:s22+$0x6E00] =	vst v3;
	s22 =	smov.u32 s24  }
0x86: {  	v3 =	vld.idx.msk [tilespmem:v2+s28+$0x0], $0xffff  }
0x87: {  	v6 =	vld.idx.msk [tilespmem:v2+s25+$0x0], $0xffff  }
0x88: {  	v8 =	vld.idx.msk [tilespmem:v2+s26+$0x0], $0xffff  }
0x89: {  	v9 =	vld.idx.msk [tilespmem:v1+s25+$0x0], $0xffff  }
0x8a: {  	v10 =	vld.idx.msk [tilespmem:v1+s26+$0x0], $0xffff  }
0x8b: {  	v11 =	vld.idx.msk [tilespmem:v0+s26+$0x0], $0xffff  }
0x8c: {  	v3 =	vsub.f32 v4, v3;
	v12 =	vld.idx.msk [tilespmem:v1+s28+$0x0], $0xffff  }
0x8d: {  	v6 =	vsub.f32 v5, v6;
	v13 =	vld.idx.msk [tilespmem:v0+s25+$0x0], $0xffff  }
0x8e: {  	v8 =	vsub.f32 v7, v8  }
0x8f: {  	v9 =	vsub.f32 v5, v9  }
0x90: {  	v6 =	vmul.f32 v6, v6;
	v8 =	vmul.f32 v8, v8;
	v10 =	vsub.f32 v7, v10;
	v14 =	vld.idx.msk [tilespmem:v0+s28+$0x0], $0xffff  }
0x91: {  	v3 =	vmul.f32 v3, v3;
	v7 =	vsub.f32 v7, v11  }
0x92: {  	v6 =	vadd.f32 v8, v6;
	v8 =	vmul.f32 v9, v9;
	v9 =	vmul.f32 v10, v10  }
0x93: {  	v10 =	vsub.f32 v4, v12;
	v5 =	vsub.f32 v5, v13;
	v7 =	vmul.f32 v7, v7  }
0x94: {  	v3 =	vadd.f32 v3, v6;
	v6 =	vadd.f32 v9, v8  }
0x95: {  	v8 =	vmul.f32 v10, v10;
	v5 =	vmul.f32 v5, v5  }
0x96: {  	v3 =	vmax.f32 v3, $9.999999680e-21;
	v4 =	vsub.f32 v4, v14  }
0x97: {  	v6 =	vadd.f32 v8, v6;
	v9 =	vshrl.u32 v3, $0x1;
	v3 =	vmul.f32 $5.000000000e-01, v3  }
0x98: {  	v5 =	vadd.f32 v7, v5;
	v8 =	vsub.s32 $0x5F3759DF, v9;
	v4 =	vmul.f32 v4, v4  }
0x99: {  	v6 =	vmax.f32 v6, $9.999999680e-21;
	v7 =	vmul.f32 v8, v3  }
0x9a: {  	v9 =	vshrl.u32 v6, $0x1;
	v6 =	vmul.f32 $5.000000000e-01, v6;
	v4 =	vadd.f32 v4, v5  }
0x9b: {  	v5 =	vmul.f32 v8, v7;
	v7 =	vsub.s32 $0x5F3759DF, v9  }
0x9c: {  	v9 =	vmul.f32 v7, v6;
	v4 =	vmax.f32 v4, $9.999999680e-21  }
0x9d: {  	v5 =	vsub.f32 $1.500000000e+00, v5;
	v10 =	vshrl.u32 v4, $0x1;
	v4 =	vmul.f32 $5.000000000e-01, v4  }
0x9e: {  	v9 =	vmul.f32 v7, v9;
	v10 =	vsub.s32 $0x5F3759DF, v10  }
0x9f: {  	v5 =	vmul.f32 v8, v5;
	v8 =	vmul.f32 v10, v4  }
0xa0: {  	v9 =	vsub.f32 $1.500000000e+00, v9  }
0xa1: {  	v11 =	vmul.f32 v5, v3;
	v8 =	vmul.f32 v10, v8  }
0xa2: {  	v7 =	vmul.f32 v7, v9  }
0xa3: {  	v9 =	vmul.f32 v11, v5;
	v8 =	vsub.f32 $1.500000000e+00, v8  }
0xa4: {  	v11 =	vmul.f32 v7, v6  }
0xa5: {  	v9 =	vsub.f32 $1.500000000e+00, v9;
	v8 =	vmul.f32 v10, v8  }
0xa6: {  	v10 =	vmul.f32 v11, v7  }
0xa7: {  	v5 =	vmul.f32 v9, v5;
	v9 =	vmul.f32 v8, v4  }
0xa8: {  	v10 =	vsub.f32 $1.500000000e+00, v10  }
0xa9: {  	v3 =	vmul.f32 v5, v3;
	v9 =	vmul.f32 v9, v8  }
0xaa: {  	v7 =	vmul.f32 v10, v7  }
0xab: {  	v3 =	vmul.f32 v3, v5;
	v9 =	vsub.f32 $1.500000000e+00, v9  }
0xac: {  	v6 =	vmul.f32 v7, v6  }
0xad: {  	v3 =	vsub.f32 $1.500000000e+00, v3;
	v8 =	vmul.f32 v9, v8  }
0xae: {  	v6 =	vmul.f32 v6, v7  }
0xaf: {  	v4 =	vmul.f32 v8, v4  }
0xb0: {  	v6 =	vsub.f32 $1.500000000e+00, v6  }
0xb1: {  	v4 =	vmul.f32 v4, v8  }
0xb2: {  	v11 =	vmul.f32 v6, v7  }
0xb3: {  	v12 =	vmul.f32 v3, v5;
	v3 =	vsub.f32 $1.500000000e+00, v4;
	_ =	sdelay $0x1  }
0xb4: {  	v8 =	vmul.f32 v3, v8;
	v3 =	vadd.f32 v11, v12;
	_ =	sdelay $0x1  }
0xb5: {  	v3 =	vadd.f32 v8, v3;
	_ =	sdelay $0x1  }
0xb6: {  	(erf) = vrcp.f32 v3;
	_ =	sdelay $0x1  }
0xb7: {  	v3 =	vld.idx.msk [tilespmem:v0+s30+$0x0], $0xffff  }
0xb8: {  	v4 =	vld.idx.msk [tilespmem:v2+s29+$0x0], $0xffff  }
0xb9: {  	v5 =	vld.idx.msk [tilespmem:v2+s30+$0x0], $0xffff  }
0xba: {  	v9 =	vld.idx.msk [tilespmem:v2+s31+$0x0], $0xffff  }
0xbb: {  	v10 =	vld.idx.msk [tilespmem:v1+s29+$0x0], $0xffff  }
.Ltmp0:
0xbc: {  	v2 =	vld.idx.msk [tilespmem:v1+s31+$0x0], $0xffff;
	(pc) =	sbr.rel @p0 .LBB2_2-.Ltmp0, $4  }
0xbd: {  	v1 =	vld.idx.msk [tilespmem:v1+s30+$0x0], $0xffff  }
0xbe: {  	v6 =	vld.idx.msk [tilespmem:v0+s31+$0x0], $0xffff;
	v13 =	vpop (erf)  }
0xbf: {  	v7 =	vld.idx.msk [tilespmem:v0+s29+$0x0], $0xffff;
	v0 =	vmul.f32 v13, v12;
	v11 =	vmul.f32 v13, v11  }
0xc0: {  	v8 =	vmul.f32 v13, v8  }
0xc1: {  	v10 =	vmul.f32 v11, v10  }
0xc2: {  	v9 =	vmul.f32 v0, v9;
	v2 =	vmul.f32 v11, v2  }
0xc3: {  	v5 =	vmul.f32 v0, v5;
	v61 =	vmul.f32 v0, v4  }
0xc4: {  	v1 =	vmul.f32 v11, v1;
	v2 =	vadd.f32 v2, v9;
	v62 =	vmul.f32 v8, v6  }
0xc5: {  	v0 =	vadd.f32 v10, v61;
	v63 =	vmul.f32 v8, v7  }
0xc6: {  	v3 =	vmul.f32 v8, v3;
	v1 =	vadd.f32 v1, v5;
	v2 =	vadd.f32 v2, v62  }
0xc7: {  	v0 =	vadd.f32 v0, v63  }
0xc8: {  	v1 =	vadd.f32 v1, v3;
	[tilespmem:s22+$0x7000] =	vst v2  }
0xc9: {  	[tilespmem:s22+$0x6C00] =	vst v0  }
0xca: {  	[tilespmem:s22+$0x6E00] =	vst v1  }
0xcb: {  	[hbm4b:s15+s2] =	stream.linear.scatter [tilespmem:s0], [sflag:$0x1], $0x200, $0x38;
	[tilespmem:$0x7200] =	vst v63  }
0xcc: {  	_ =	swait.ge [sflag:s19], $0x200  }
0xcd: {  	[sflag:s19] =	ssyncset.done $0x0  }
0xce: {  	[sflag:s19] =	ssyncadd.s32 $0xFFFFFE00  }
0xcf: {  	[hbm4b:s16+s2] =	stream.linear.scatter [tilespmem:s3], [sflag:$0x1], $0x200, $0x38;
	[tilespmem:$0x7200] =	vst v63  }
0xd0: {  	s21 =	sadd.s32 $0x1, s21;
	_ =	swait.ge [sflag:s19], $0x200  }
0xd1: {  	p0 =	sne.s32 s21, s18;
	[sflag:s19] =	ssyncset.done $0x0  }
.Ltmp1:
0xd2: {  	[sflag:s19] =	ssyncadd.s32 $0xFFFFFE00;
	(pc) =	sbr.rel @p0 .LBB2_1-.Ltmp1, $4  }
0xd3: {  	[hbm4b:s17+s2] =	stream.linear.scatter [tilespmem:s20], [sflag:$0x1], $0x200, $0x38;
	[tilespmem:$0x7200] =	vst v63  }
0xd4: {  	_ =	swait.ge [sflag:s19], $0x200  }
0xd5: {  	[sflag:s19] =	ssyncset.done $0x0  }
0xd6: {  	[sflag:s19] =	ssyncadd.s32 $0xFFFFFE00  }
0xd7: {  	_ =	sfence.sel $0x180000  }
0xd8: {  	[bflag:$0x0] =	sbarrier.arrive $0xFFFF  }
0xd9: {  	_ =	strace $0x90000047  }
0xda: {  	s0 =	stileid.u32;
	[bflag:$0x2] =	sbarrier.arrive $0xFFFF  }
0xdb: {  	p0 =	sne.s32 s0, $0x0;
	s0 =	rddreg [dreg:$0x2]  }
0xdc: {  	s0 =	sadd.s32 @!p0 $0x100000, s0  }
0xdd: {  	[sflag:s0] =	ssyncadd.tile.s32 @!p0 $0x1;
	_ =	shalt  }
.Lfunc_end2:
_tile_overlayer_lowered:
.L_overlay_start_2:
0xde: {  	(tag) =	ssettag $0x2  }
0xdf: {  	s0 =	rddreg [dreg:$0x0];
	s2 =	stileid.u32  }
0xe0: {  	s1 =	rddreg [dreg:$0x1];
	p0 =	sne.s32 s2, $0x0  }
0xe1: {  	s3 =	rddreg [dreg:$0x2];
	[bflag:$0x3] =	sbarrier.arrive $0xFFFF;
	s2 =	simm.s32 @!p0 $0x1C01  }
0xe2: {  	[timem:s3], [sflag:s2] =	dma.local @!p0 [hbm:s0], s1  }
0xe3: {  	s0 =	simm.s32 @!p0 $0x1  }
0xe4: {  	_ =	swait.ge @!p0 [sflag:s0], s1  }
0xe5: {  	s1 =	ssub.s32 @!p0 $0x0, s1;
	[sflag:s0] =	ssyncset.done @!p0 $0x0  }
0xe6: {  	[sflag:s0] =	ssyncadd.s32 @!p0 s1  }
0xe7: {  	[bflag:$0x3] =	sbarrier.arrive $0xFFFF  }
0xe8: {  	_ =	shalt  }

</sc_bundles>
